<compile_context>
chip_gen: v7x
topology: tpu7x:2x2x1
jax: 0.10.2.dev20260603
libtpu: 0.0.44.dev20260713+nightly
codegen_flags: <defaults>
</compile_context>

<pallas_src>
import functools

import jax
import jax.numpy as jnp
from jax import lax
from jax.experimental import pallas as pl
from jax.experimental.pallas import tpu as pltpu
from jax.experimental.pallas import tpu_sc as plsc

N = 50000
D = 64
HD = 32
E = 800000
G = 128
NC = 2
NS = 16
NP = 50048
EP = 819200
GSZ = 128
NBG = EP // GSZ
GPT = NBG // NS
GPTA = NBG // (NC * NS)
GB = 40
NBUF = 5
RPT = NP // NS
BM = 1000
NBLK = N // BM


def _sca_body(dst_hbm, ones_hbm, za_hbm, degp_hbm, dsti, ones_v, accd):
    c = lax.axis_index("c")
    s = lax.axis_index("s")
    r0 = s * RPT
    pltpu.sync_copy(za_hbm.at[pl.ds(r0, RPT), :], accd.at[pl.ds(r0, RPT), :])
    pltpu.sync_copy(ones_hbm, ones_v)
    plsc.subcore_barrier()
    g0_tile = c * (NBG // NC) + s * GPTA

    def outer(k, carry):
        g0 = g0_tile + k * GB
        pltpu.sync_copy(dst_hbm.at[pl.ds(g0, GB), :], dsti)

        def inner(j, carry2):
            pltpu.sync_copy(ones_v, accd.at[dsti.at[j]], add=True)
            return carry2

        return lax.fori_loop(0, GB, inner, carry)

    lax.fori_loop(0, GPTA // GB, outer, 0)
    plsc.subcore_barrier()
    pltpu.sync_copy(accd.at[pl.ds(r0, RPT), :], degp_hbm.at[c, pl.ds(r0, RPT), :])


@functools.cache
def _get_sca():
    mesh = plsc.VectorSubcoreMesh(core_axis_name="c", subcore_axis_name="s")
    return pl.kernel(
        _sca_body,
        mesh=mesh,
        out_type=jax.ShapeDtypeStruct((NC, NP, 16), jnp.float32),
        compiler_params=pltpu.CompilerParams(use_tc_tiling_on_sc=False),
        scratch_types=[
            pltpu.VMEM((GB, GSZ), jnp.int32),
            pltpu.VMEM((GSZ, 16), jnp.float32),
            pltpu.VMEM_SHARED((NP, 16), jnp.float32),
        ],
    )



def _scb_body(y_hbm, src_hbm, dst_hbm, z_hbm, s_hbm, srci, dsti, gbuf, sem,
              acc):
    c = lax.axis_index("c")
    s = lax.axis_index("s")
    r0 = s * RPT
    pltpu.sync_copy(z_hbm.at[pl.ds(r0, RPT), :], acc.at[pl.ds(r0, RPT), :])
    plsc.subcore_barrier()
    g0_tile = s * GPT

    def outer(k, carry):
        g0 = g0_tile + k * GB
        pltpu.sync_copy(src_hbm.at[c, pl.ds(g0, GB), :], srci)
        pltpu.sync_copy(dst_hbm.at[pl.ds(g0, GB), :], dsti)
        for p in range(NBUF - 1):
            pltpu.async_copy(y_hbm.at[srci.at[p]], gbuf.at[p], sem)

        def inner(j, carry2):
            @pl.when(j + NBUF - 1 < GB)
            def _():
                pltpu.async_copy(y_hbm.at[srci.at[j + NBUF - 1]],
                                 gbuf.at[(j + NBUF - 1) % NBUF], sem)

            pltpu.make_async_copy(y_hbm.at[srci.at[j]], gbuf.at[j % NBUF],
                                  sem).wait()
            pltpu.sync_copy(gbuf.at[j % NBUF], acc.at[dsti.at[j]], add=True)
            return carry2

        return lax.fori_loop(0, GB, inner, carry)

    lax.fori_loop(0, GPT // GB, outer, 0)
    plsc.subcore_barrier()
    pltpu.sync_copy(acc.at[pl.ds(r0, RPT), :], s_hbm.at[c, pl.ds(r0, RPT), :])


@functools.cache
def _get_scb():
    mesh = plsc.VectorSubcoreMesh(core_axis_name="c", subcore_axis_name="s")
    return pl.kernel(
        _scb_body,
        mesh=mesh,
        out_type=jax.ShapeDtypeStruct((NC, NP, HD), jnp.float32),
        compiler_params=pltpu.CompilerParams(use_tc_tiling_on_sc=False),
        scratch_types=[
            pltpu.VMEM((GB, GSZ), jnp.int32),
            pltpu.VMEM((GB, GSZ), jnp.int32),
            pltpu.VMEM((NBUF, GSZ, HD), jnp.float32),
            pltpu.SemaphoreType.DMA,
            pltpu.VMEM_SHARED((NP, HD), jnp.float32),
        ],
    )



def _tc1_body(x_ref, w_ref, degp_ref, y_ref, dinv_ref):
    dp = degp_ref[...]
    deg = dp[0, :, 0] + dp[1, :, 0] + 2.0
    dinv = lax.rsqrt(deg)
    xw = jnp.dot(x_ref[...], w_ref[...], preferred_element_type=jnp.float32)
    y = xw * dinv[:, None]
    y_ref[0] = y[:, :HD]
    y_ref[1] = y[:, HD:]
    dinv_ref[...] = dinv[:, None]


_tc1 = pl.pallas_call(
    _tc1_body,
    grid=(NBLK,),
    in_specs=[
        pl.BlockSpec((BM, D), lambda i: (i, 0)),
        pl.BlockSpec((D, D), lambda i: (0, 0)),
        pl.BlockSpec((NC, BM, 16), lambda i: (0, i, 0)),
    ],
    out_specs=[
        pl.BlockSpec((NC, BM, HD), lambda i: (0, i, 0)),
        pl.BlockSpec((BM, 1), lambda i: (i, 0)),
    ],
    out_shape=[
        jax.ShapeDtypeStruct((NC, N, HD), jnp.float32),
        jax.ShapeDtypeStruct((NP, 1), jnp.float32),
    ],
)


def _tcmid_body(s_ref, y_ref, dinv_ref, b_ref, w_ref, yn_ref):
    sv = s_ref[...]
    yv = y_ref[...]
    sb = jnp.concatenate([sv[0], sv[1]], axis=1)
    yb = jnp.concatenate([yv[0], yv[1]], axis=1)
    dinv = dinv_ref[...]
    h = jnp.maximum(dinv * (sb + 2.0 * yb) + b_ref[...], 0.0)
    yn = jnp.dot(h, w_ref[...], preferred_element_type=jnp.float32) * dinv
    yn_ref[0] = yn[:, :HD]
    yn_ref[1] = yn[:, HD:]


_tcmid = pl.pallas_call(
    _tcmid_body,
    grid=(NBLK,),
    in_specs=[
        pl.BlockSpec((NC, BM, HD), lambda i: (0, i, 0)),
        pl.BlockSpec((NC, BM, HD), lambda i: (0, i, 0)),
        pl.BlockSpec((BM, 1), lambda i: (i, 0)),
        pl.BlockSpec((1, D), lambda i: (0, 0)),
        pl.BlockSpec((D, D), lambda i: (0, 0)),
    ],
    out_specs=pl.BlockSpec((NC, BM, HD), lambda i: (0, i, 0)),
    out_shape=jax.ShapeDtypeStruct((NC, N, HD), jnp.float32),
)


def _tc4_body(s_ref, y_ref, dinv_ref, b_ref, batch_ref, wout_ref, bout_ref,
              out_ref, acc_ref):
    i = pl.program_id(0)

    @pl.when(i == 0)
    def _():
        acc_ref[...] = jnp.zeros_like(acc_ref)

    sv = s_ref[...]
    yv = y_ref[...]
    sb = jnp.concatenate([sv[0], sv[1]], axis=1)
    yb = jnp.concatenate([yv[0], yv[1]], axis=1)
    dinv = dinv_ref[...]
    h = jnp.maximum(dinv * (sb + 2.0 * yb) + b_ref[...], 0.0)
    oh = (batch_ref[...] == lax.broadcasted_iota(jnp.int32, (BM, G), 1))
    acc_ref[...] += lax.dot_general(
        oh.astype(jnp.float32), h, (((0,), (0,)), ((), ())),
        preferred_element_type=jnp.float32)

    @pl.when(i == NBLK - 1)
    def _():
        out_ref[...] = (jnp.dot(acc_ref[...], wout_ref[...],
                                preferred_element_type=jnp.float32)
                        + bout_ref[...])


_tc4 = pl.pallas_call(
    _tc4_body,
    grid=(NBLK,),
    in_specs=[
        pl.BlockSpec((NC, BM, HD), lambda i: (0, i, 0)),
        pl.BlockSpec((NC, BM, HD), lambda i: (0, i, 0)),
        pl.BlockSpec((BM, 1), lambda i: (i, 0)),
        pl.BlockSpec((1, D), lambda i: (0, 0)),
        pl.BlockSpec((BM, 1), lambda i: (i, 0)),
        pl.BlockSpec((D, 1), lambda i: (0, 0)),
        pl.BlockSpec((1, 1), lambda i: (0, 0)),
    ],
    out_specs=pl.BlockSpec((G, 1), lambda i: (0, 0)),
    out_shape=jax.ShapeDtypeStruct((G, 1), jnp.float32),
    scratch_shapes=[pltpu.VMEM((G, D), jnp.float32)],
)


def kernel(x, edge_index, edge_attr, batch, W1, b1, W2, b2, Wout, bout):
    src = edge_index[0].astype(jnp.int32)
    dst = edge_index[1].astype(jnp.int32)
    pad = EP - E
    srcp = jnp.concatenate([src, jnp.zeros((pad,), jnp.int32)])
    dstp = jnp.concatenate([dst, jnp.full((pad,), N, jnp.int32)])
    src2 = jnp.stack([srcp, srcp + N]).reshape(NC, NBG, GSZ)
    dst3 = dstp.reshape(NBG, GSZ)
    zeros32 = jnp.zeros((NP, HD), jnp.float32)
    zeros16 = jnp.zeros((NP, 16), jnp.float32)
    ones16 = jnp.ones((GSZ, 16), jnp.float32)
    b1r = b1.reshape(1, D)
    b2r = b2.reshape(1, D)

    sca = _get_sca()
    scb = _get_scb()
    degp = sca(dst3, ones16, zeros16)
    y1, dinv = _tc1(x, W1, degp)
    s1 = scb(y1.reshape(NC * N, HD), src2, dst3, zeros32)
    y2 = _tcmid(s1, y1, dinv, b1r, W2)
    s2 = scb(y2.reshape(NC * N, HD), src2, dst3, zeros32)
    y3 = _tcmid(s2, y2, dinv, b2r, W2)
    s3 = scb(y3.reshape(NC * N, HD), src2, dst3, zeros32)
    return _tc4(s3, y3, dinv, b2r, batch.reshape(N, 1).astype(jnp.int32),
                Wout, bout.reshape(1, 1))

# --- scband reference (transcript-rebuilt; emitter-appended) ---
"""Pipeline reference for scband-gcn-n-3530463118086 (READ-ONLY COPY).

The authoritative reference and input builder live on the scoring server;
editing this copy changes nothing except your own understanding.
"""

import jax, jax.numpy as jnp
import numpy as np

N = 50000
E = 800000
D = 64
G = 128


def setup_inputs(seed: int = 0) -> dict:
    key = jax.random.key(seed)
    ks = jax.random.split(key, 10)
    x = jax.random.normal(ks[0], (N, D), dtype=jnp.float32)
    edge_index = jax.random.randint(ks[1], (2, E), 0, N)
    edge_attr = jax.random.normal(ks[2], (E, 4), dtype=jnp.float32)
    batch = jnp.sort(jax.random.randint(ks[3], (N,), 0, G))
    W1 = jax.random.normal(ks[4], (D, D), dtype=jnp.float32) * (1.0 / np.sqrt(D))
    b1 = jnp.zeros((D,), dtype=jnp.float32)
    W2 = jax.random.normal(ks[5], (D, D), dtype=jnp.float32) * (1.0 / np.sqrt(D))
    b2 = jnp.zeros((D,), dtype=jnp.float32)
    Wout = jax.random.normal(ks[6], (D, 1), dtype=jnp.float32) * (1.0 / np.sqrt(D))
    bout = jnp.zeros((1,), dtype=jnp.float32)
    return {"x": x, "edge_index": edge_index, "edge_attr": edge_attr, "batch": batch,
            "W1": W1, "b1": b1, "W2": W2, "b2": b2, "Wout": Wout, "bout": bout}


def _gcn_conv(x, W, b, src, dst, n):
    # GCNConv(improved=True): self-loop weight = 2.0, symmetric normalization
    xw = x @ W
    deg = jnp.zeros((n,), dtype=x.dtype).at[dst].add(jnp.ones((src.shape[0],), dtype=x.dtype)) + 2.0
    dinv = 1.0 / jnp.sqrt(deg)
    norm = dinv[src] * dinv[dst]
    out = jnp.zeros_like(xw).at[dst].add(xw[src] * norm[:, None])
    # self-loop messages: weight 2.0, norm = dinv[i]*dinv[i]
    out = out + xw * (2.0 * dinv * dinv)[:, None]
    return out + b


def reference(x, edge_index, edge_attr, batch, W1, b1, W2, b2, Wout, bout):
    src = edge_index[0]
    dst = edge_index[1]
    n = x.shape[0]
    h = jax.nn.relu(_gcn_conv(x, W1, b1, src, dst, n))
    # layer = 3 -> two more shared-weight conv layers
    for _ in range(2):
        h = jax.nn.relu(_gcn_conv(h, W2, b2, src, dst, n))
    pooled = jax.ops.segment_sum(h, batch, num_segments=G)
    return pooled @ Wout + bout

if __name__ == "__main__":
    import jax
    _d = setup_inputs()
    print(jax.jit(kernel)(*tuple(_d.values())))

</pallas_src>

<mosaic_0001>
#map = affine_map<(d0, d1) -> (0, 0)>
#map1 = affine_map<(d0, d1) -> (0, 0, 0)>
module attributes {stable_mosaic.version = 14 : i64} {
  func.func @_sca_body(%arg0: i32, %arg1: i32, %arg2: memref<6400x128xi32, #tpu.memory_space<hbm>>, %arg3: memref<128x16xf32, #tpu.memory_space<hbm>>, %arg4: memref<50048x16xf32, #tpu.memory_space<hbm>>, %arg5: memref<2x50048x16xf32, #tpu.memory_space<hbm>>, %arg6: memref<40x128xi32, #tpu.memory_space<vmem>>, %arg7: memref<128x16xf32, #tpu.memory_space<vmem>>, %arg8: memref<50048x16xf32, #tpu.memory_space<vmem_shared>>) attributes {dimension_semantics = [#tpu.dimension_semantics<core_parallel>, #tpu.dimension_semantics<subcore_parallel>], iteration_bounds = array<i64: 2, 16>, scalar_prefetch = 0 : i64, scratch_operands = 3 : i64, tpu.core_type = #tpu.core_type<sc_vector_subcore>, window_params = [{transform_indices = #map}, {transform_indices = #map}, {transform_indices = #map}, {transform_indices = #map1}]} {
    %mul3A = arith.constant 3128 : i32
    %mul3A_0 = arith.muli %arg1, %mul3A : i32
    "tpu.region"() ({
      %run_scoped3A = tpu.sem_alloc : memref<!tpu.dma_semaphore, #tpu.memory_space<semaphore_mem>>
      %dma_start3A = arith.constant 0 : i32
      %dma_start3A_11 = tpu.memref_slice %arg8[%mul3A_0, %dma_start3A] : memref<50048x16xf32, #tpu.memory_space<vmem_shared>> -> memref<3128x16xf32, #tpu.memory_space<vmem_shared>>
      %dma_start3A_12 = arith.constant 0 : i32
      %dma_start3A_13 = tpu.memref_slice %arg4[%mul3A_0, %dma_start3A_12] : memref<50048x16xf32, #tpu.memory_space<hbm>> -> memref<3128x16xf32, #tpu.memory_space<hbm>>
      tpu.enqueue_dma source(%dma_start3A_13 : memref<3128x16xf32, #tpu.memory_space<hbm>>) target(%dma_start3A_11 : memref<3128x16xf32, #tpu.memory_space<vmem_shared>>) target_semaphore(%run_scoped3A : memref<!tpu.dma_semaphore, #tpu.memory_space<semaphore_mem>>)
      %dma_wait3A = arith.constant 0 : i32
      %dma_wait3A_14 = tpu.memref_slice %arg8[%mul3A_0, %dma_wait3A] : memref<50048x16xf32, #tpu.memory_space<vmem_shared>> -> memref<3128x16xf32, #tpu.memory_space<vmem_shared>>
      %dma_wait3A_15 = arith.constant 0 : i32
      %dma_wait3A_16 = tpu.memref_slice %arg4[%mul3A_0, %dma_wait3A_15] : memref<50048x16xf32, #tpu.memory_space<hbm>> -> memref<3128x16xf32, #tpu.memory_space<hbm>>
      tpu.wait_dma2 semaphore(%run_scoped3A : memref<!tpu.dma_semaphore, #tpu.memory_space<semaphore_mem>>) src(%dma_wait3A_16 : memref<3128x16xf32, #tpu.memory_space<hbm>>) dst(%dma_wait3A_14 : memref<3128x16xf32, #tpu.memory_space<vmem_shared>>)
      tpu.yield
    }) : () -> ()
    "tpu.region"() ({
      %run_scoped3A = tpu.sem_alloc : memref<!tpu.dma_semaphore, #tpu.memory_space<semaphore_mem>>
      tpu.enqueue_dma source(%arg3 : memref<128x16xf32, #tpu.memory_space<hbm>>) target(%arg7 : memref<128x16xf32, #tpu.memory_space<vmem>>) target_semaphore(%run_scoped3A : memref<!tpu.dma_semaphore, #tpu.memory_space<semaphore_mem>>)
      tpu.wait_dma2 semaphore(%run_scoped3A : memref<!tpu.dma_semaphore, #tpu.memory_space<semaphore_mem>>) src(%arg3 : memref<128x16xf32, #tpu.memory_space<hbm>>) dst(%arg7 : memref<128x16xf32, #tpu.memory_space<vmem>>)
      tpu.yield
    }) : () -> ()
    %barrier3A = arith.constant 0 : index
    tpu.barrier barrier_id(%barrier3A)
    %mul3A_1 = arith.constant 3200 : i32
    %mul3A_2 = arith.muli %arg0, %mul3A_1 : i32
    %mul3A_3 = arith.constant 200 : i32
    %mul3A_4 = arith.muli %arg1, %mul3A_3 : i32
    %add3A = arith.addi %mul3A_2, %mul3A_4 : i32
    %scan3A = arith.constant 0 : i32
    %scan3A_5 = arith.constant 0 : i32
    %scan3A_6 = arith.constant 5 : i32
    %scan3A_7 = arith.addi %scan3A_5, %scan3A_6 : i32
    %scan3A_8 = arith.constant 1 : i32
    scf.for %scan3A_11 = %scan3A_5 to %scan3A_7 step %scan3A_8  : i32 {
      %mul3A_12 = arith.constant 40 : i32
      %mul3A_13 = arith.muli %scan3A_11, %mul3A_12 : i32
      %add3A_14 = arith.addi %add3A, %mul3A_13 : i32
      "tpu.region"() ({
        %run_scoped3A = tpu.sem_alloc : memref<!tpu.dma_semaphore, #tpu.memory_space<semaphore_mem>>
        %dma_start3A = arith.constant 0 : i32
        %dma_start3A_20 = tpu.memref_slice %arg2[%add3A_14, %dma_start3A] : memref<6400x128xi32, #tpu.memory_space<hbm>> -> memref<40x128xi32, #tpu.memory_space<hbm>>
        %dma_start3A_21 = arith.constant 0 : i32
        %dma_start3A_22 = tpu.memref_slice %arg2[%add3A_14, %dma_start3A_21] : memref<6400x128xi32, #tpu.memory_space<hbm>> -> memref<40x128xi32, #tpu.memory_space<hbm>>
        tpu.enqueue_dma source(%dma_start3A_22 : memref<40x128xi32, #tpu.memory_space<hbm>>) target(%arg6 : memref<40x128xi32, #tpu.memory_space<vmem>>) target_semaphore(%run_scoped3A : memref<!tpu.dma_semaphore, #tpu.memory_space<semaphore_mem>>)
        %dma_wait3A = arith.constant 0 : i32
        %dma_wait3A_23 = tpu.memref_slice %arg2[%add3A_14, %dma_wait3A] : memref<6400x128xi32, #tpu.memory_space<hbm>> -> memref<40x128xi32, #tpu.memory_space<hbm>>
        %dma_wait3A_24 = arith.constant 0 : i32
        %dma_wait3A_25 = tpu.memref_slice %arg2[%add3A_14, %dma_wait3A_24] : memref<6400x128xi32, #tpu.memory_space<hbm>> -> memref<40x128xi32, #tpu.memory_space<hbm>>
        tpu.wait_dma2 semaphore(%run_scoped3A : memref<!tpu.dma_semaphore, #tpu.memory_space<semaphore_mem>>) src(%dma_wait3A_25 : memref<40x128xi32, #tpu.memory_space<hbm>>) dst(%arg6 : memref<40x128xi32, #tpu.memory_space<vmem>>)
        tpu.yield
      }) : () -> ()
      %scan3A_15 = arith.constant 0 : i32
      %scan3A_16 = arith.constant 40 : i32
      %scan3A_17 = arith.addi %scan3A_15, %scan3A_16 : i32
      %scan3A_18 = arith.constant 1 : i32
      scf.for %scan3A_20 = %scan3A_15 to %scan3A_17 step %scan3A_18  : i32 {
        "tpu.region"() ({
          %run_scoped3A = tpu.sem_alloc : memref<!tpu.dma_semaphore, #tpu.memory_space<semaphore_mem>>
          %dma_start3A = arith.constant 0 : i32
          %dma_start3A_21 = tpu.memref_slice %arg6[%scan3A_20, %dma_start3A] : memref<40x128xi32, #tpu.memory_space<vmem>> -> memref<1x128xi32, #tpu.memory_space<vmem>>
          %dma_start3A_22 = tpu.memref_squeeze %dma_start3A_21 : memref<1x128xi32, #tpu.memory_space<vmem>> -> memref<128xi32, #tpu.memory_space<vmem>>
          %dma_start3A_23 = arith.constant 0 : i32
          %dma_start3A_24 = arith.constant 0 : i32
          %dma_start3A_25 = tpu.memref_slice %arg8[%dma_start3A_23, %dma_start3A_24] : memref<50048x16xf32, #tpu.memory_space<vmem_shared>> -> memref<50048x16xf32, #tpu.memory_space<vmem_shared>>
          tpu.enqueue_indirect_dma source(%arg7 : memref<128x16xf32, #tpu.memory_space<vmem>>) target(%dma_start3A_25 : memref<50048x16xf32, #tpu.memory_space<vmem_shared>>) offsets(%dma_start3A_22 : memref<128xi32, #tpu.memory_space<vmem>>) semaphore(%run_scoped3A : memref<!tpu.dma_semaphore, #tpu.memory_space<semaphore_mem>>) {add = true}
          %dma_wait3A = arith.constant 0 : i32
          %dma_wait3A_26 = tpu.memref_slice %arg6[%scan3A_20, %dma_wait3A] : memref<40x128xi32, #tpu.memory_space<vmem>> -> memref<1x128xi32, #tpu.memory_space<vmem>>
          %dma_wait3A_27 = tpu.memref_squeeze %dma_wait3A_26 : memref<1x128xi32, #tpu.memory_space<vmem>> -> memref<128xi32, #tpu.memory_space<vmem>>
          %dma_wait3A_28 = arith.constant 0 : i32
          %dma_wait3A_29 = arith.constant 0 : i32
          %dma_wait3A_30 = tpu.memref_slice %arg8[%dma_wait3A_28, %dma_wait3A_29] : memref<50048x16xf32, #tpu.memory_space<vmem_shared>> -> memref<50048x16xf32, #tpu.memory_space<vmem_shared>>
          tpu.wait_indirect_dma semaphore(%run_scoped3A : memref<!tpu.dma_semaphore, #tpu.memory_space<semaphore_mem>>) src(%arg7 : memref<128x16xf32, #tpu.memory_space<vmem>>) dst(%dma_wait3A_30 : memref<50048x16xf32, #tpu.memory_space<vmem_shared>>)
          tpu.yield
        }) : () -> ()
      }
      %scan3A_19 = arith.constant 40 : i32
    }
    %scan3A_9 = arith.constant 5 : i32
    %barrier3A_10 = arith.constant 0 : index
    tpu.barrier barrier_id(%barrier3A_10)
    "tpu.region"() ({
      %run_scoped3A = tpu.sem_alloc : memref<!tpu.dma_semaphore, #tpu.memory_space<semaphore_mem>>
      %dma_start3A = arith.constant 0 : i32
      %dma_start3A_11 = tpu.memref_slice %arg5[%arg0, %mul3A_0, %dma_start3A] : memref<2x50048x16xf32, #tpu.memory_space<hbm>> -> memref<1x3128x16xf32, #tpu.memory_space<hbm>>
      %dma_start3A_12 = tpu.memref_squeeze %dma_start3A_11 : memref<1x3128x16xf32, #tpu.memory_space<hbm>> -> memref<3128x16xf32, #tpu.memory_space<hbm>>
      %dma_start3A_13 = arith.constant 0 : i32
      %dma_start3A_14 = tpu.memref_slice %arg8[%mul3A_0, %dma_start3A_13] : memref<50048x16xf32, #tpu.memory_space<vmem_shared>> -> memref<3128x16xf32, #tpu.memory_space<vmem_shared>>
      tpu.enqueue_dma source(%dma_start3A_14 : memref<3128x16xf32, #tpu.memory_space<vmem_shared>>) target(%dma_start3A_12 : memref<3128x16xf32, #tpu.memory_space<hbm>>) target_semaphore(%run_scoped3A : memref<!tpu.dma_semaphore, #tpu.memory_space<semaphore_mem>>)
      %dma_wait3A = arith.constant 0 : i32
      %dma_wait3A_15 = tpu.memref_slice %arg5[%arg0, %mul3A_0, %dma_wait3A] : memref<2x50048x16xf32, #tpu.memory_space<hbm>> -> memref<1x3128x16xf32, #tpu.memory_space<hbm>>
      %dma_wait3A_16 = tpu.memref_squeeze %dma_wait3A_15 : memref<1x3128x16xf32, #tpu.memory_space<hbm>> -> memref<3128x16xf32, #tpu.memory_space<hbm>>
      %dma_wait3A_17 = arith.constant 0 : i32
      %dma_wait3A_18 = tpu.memref_slice %arg8[%mul3A_0, %dma_wait3A_17] : memref<50048x16xf32, #tpu.memory_space<vmem_shared>> -> memref<3128x16xf32, #tpu.memory_space<vmem_shared>>
      tpu.wait_dma2 semaphore(%run_scoped3A : memref<!tpu.dma_semaphore, #tpu.memory_space<semaphore_mem>>) src(%dma_wait3A_18 : memref<3128x16xf32, #tpu.memory_space<vmem_shared>>) dst(%dma_wait3A_16 : memref<3128x16xf32, #tpu.memory_space<hbm>>)
      tpu.yield
    }) : () -> ()
    return
  }
}

#map = affine_map<(d0, d1) -> (0, 0)>
#map1 = affine_map<(d0, d1) -> (0, 0, 0)>
module attributes {stable_mosaic.version = 14 : i64} {
  func.func @_scb_body(%arg0: i32, %arg1: i32, %arg2: memref<100000x32xf32, #tpu.memory_space<hbm>>, %arg3: memref<2x6400x128xi32, #tpu.memory_space<hbm>>, %arg4: memref<6400x128xi32, #tpu.memory_space<hbm>>, %arg5: memref<50048x32xf32, #tpu.memory_space<hbm>>, %arg6: memref<2x50048x32xf32, #tpu.memory_space<hbm>>, %arg7: memref<40x128xi32, #tpu.memory_space<vmem>>, %arg8: memref<40x128xi32, #tpu.memory_space<vmem>>, %arg9: memref<5x128x32xf32, #tpu.memory_space<vmem>>, %arg10: memref<!tpu.dma_semaphore, #tpu.memory_space<semaphore_mem>>, %arg11: memref<50048x32xf32, #tpu.memory_space<vmem_shared>>) attributes {dimension_semantics = [#tpu.dimension_semantics<core_parallel>, #tpu.dimension_semantics<subcore_parallel>], iteration_bounds = array<i64: 2, 16>, scalar_prefetch = 0 : i64, scratch_operands = 5 : i64, tpu.core_type = #tpu.core_type<sc_vector_subcore>, window_params = [{transform_indices = #map}, {transform_indices = #map1}, {transform_indices = #map}, {transform_indices = #map}, {transform_indices = #map1}]} {
    %mul3A = arith.constant 3128 : i32
    %mul3A_0 = arith.muli %arg1, %mul3A : i32
    "tpu.region"() ({
      %run_scoped3A = tpu.sem_alloc : memref<!tpu.dma_semaphore, #tpu.memory_space<semaphore_mem>>
      %dma_start3A = arith.constant 0 : i32
      %dma_start3A_9 = tpu.memref_slice %arg11[%mul3A_0, %dma_start3A] : memref<50048x32xf32, #tpu.memory_space<vmem_shared>> -> memref<3128x32xf32, #tpu.memory_space<vmem_shared>>
      %dma_start3A_10 = arith.constant 0 : i32
      %dma_start3A_11 = tpu.memref_slice %arg5[%mul3A_0, %dma_start3A_10] : memref<50048x32xf32, #tpu.memory_space<hbm>> -> memref<3128x32xf32, #tpu.memory_space<hbm>>
      tpu.enqueue_dma source(%dma_start3A_11 : memref<3128x32xf32, #tpu.memory_space<hbm>>) target(%dma_start3A_9 : memref<3128x32xf32, #tpu.memory_space<vmem_shared>>) target_semaphore(%run_scoped3A : memref<!tpu.dma_semaphore, #tpu.memory_space<semaphore_mem>>)
      %dma_wait3A = arith.constant 0 : i32
      %dma_wait3A_12 = tpu.memref_slice %arg11[%mul3A_0, %dma_wait3A] : memref<50048x32xf32, #tpu.memory_space<vmem_shared>> -> memref<3128x32xf32, #tpu.memory_space<vmem_shared>>
      %dma_wait3A_13 = arith.constant 0 : i32
      %dma_wait3A_14 = tpu.memref_slice %arg5[%mul3A_0, %dma_wait3A_13] : memref<50048x32xf32, #tpu.memory_space<hbm>> -> memref<3128x32xf32, #tpu.memory_space<hbm>>
      tpu.wait_dma2 semaphore(%run_scoped3A : memref<!tpu.dma_semaphore, #tpu.memory_space<semaphore_mem>>) src(%dma_wait3A_14 : memref<3128x32xf32, #tpu.memory_space<hbm>>) dst(%dma_wait3A_12 : memref<3128x32xf32, #tpu.memory_space<vmem_shared>>)
      tpu.yield
    }) : () -> ()
    %barrier3A = arith.constant 0 : index
    tpu.barrier barrier_id(%barrier3A)
    %mul3A_1 = arith.constant 400 : i32
    %mul3A_2 = arith.muli %arg1, %mul3A_1 : i32
    %scan3A = arith.constant 0 : i32
    %scan3A_3 = arith.constant 0 : i32
    %scan3A_4 = arith.constant 10 : i32
    %scan3A_5 = arith.addi %scan3A_3, %scan3A_4 : i32
    %scan3A_6 = arith.constant 1 : i32
    scf.for %scan3A_9 = %scan3A_3 to %scan3A_5 step %scan3A_6  : i32 {
      %mul3A_10 = arith.constant 40 : i32
      %mul3A_11 = arith.muli %scan3A_9, %mul3A_10 : i32
      %add3A = arith.addi %mul3A_2, %mul3A_11 : i32
      "tpu.region"() ({
        %run_scoped3A = tpu.sem_alloc : memref<!tpu.dma_semaphore, #tpu.memory_space<semaphore_mem>>
        %dma_start3A_64 = arith.constant 0 : i32
        %dma_start3A_65 = tpu.memref_slice %arg3[%arg0, %add3A, %dma_start3A_64] : memref<2x6400x128xi32, #tpu.memory_space<hbm>> -> memref<1x40x128xi32, #tpu.memory_space<hbm>>
        %dma_start3A_66 = tpu.memref_squeeze %dma_start3A_65 : memref<1x40x128xi32, #tpu.memory_space<hbm>> -> memref<40x128xi32, #tpu.memory_space<hbm>>
        %dma_start3A_67 = arith.constant 0 : i32
        %dma_start3A_68 = tpu.memref_slice %arg3[%arg0, %add3A, %dma_start3A_67] : memref<2x6400x128xi32, #tpu.memory_space<hbm>> -> memref<1x40x128xi32, #tpu.memory_space<hbm>>
        %dma_start3A_69 = tpu.memref_squeeze %dma_start3A_68 : memref<1x40x128xi32, #tpu.memory_space<hbm>> -> memref<40x128xi32, #tpu.memory_space<hbm>>
        tpu.enqueue_dma source(%dma_start3A_69 : memref<40x128xi32, #tpu.memory_space<hbm>>) target(%arg7 : memref<40x128xi32, #tpu.memory_space<vmem>>) target_semaphore(%run_scoped3A : memref<!tpu.dma_semaphore, #tpu.memory_space<semaphore_mem>>)
        %dma_wait3A = arith.constant 0 : i32
        %dma_wait3A_70 = tpu.memref_slice %arg3[%arg0, %add3A, %dma_wait3A] : memref<2x6400x128xi32, #tpu.memory_space<hbm>> -> memref<1x40x128xi32, #tpu.memory_space<hbm>>
        %dma_wait3A_71 = tpu.memref_squeeze %dma_wait3A_70 : memref<1x40x128xi32, #tpu.memory_space<hbm>> -> memref<40x128xi32, #tpu.memory_space<hbm>>
        %dma_wait3A_72 = arith.constant 0 : i32
        %dma_wait3A_73 = tpu.memref_slice %arg3[%arg0, %add3A, %dma_wait3A_72] : memref<2x6400x128xi32, #tpu.memory_space<hbm>> -> memref<1x40x128xi32, #tpu.memory_space<hbm>>
        %dma_wait3A_74 = tpu.memref_squeeze %dma_wait3A_73 : memref<1x40x128xi32, #tpu.memory_space<hbm>> -> memref<40x128xi32, #tpu.memory_space<hbm>>
        tpu.wait_dma2 semaphore(%run_scoped3A : memref<!tpu.dma_semaphore, #tpu.memory_space<semaphore_mem>>) src(%dma_wait3A_74 : memref<40x128xi32, #tpu.memory_space<hbm>>) dst(%arg7 : memref<40x128xi32, #tpu.memory_space<vmem>>)
        tpu.yield
      }) : () -> ()
      "tpu.region"() ({
        %run_scoped3A = tpu.sem_alloc : memref<!tpu.dma_semaphore, #tpu.memory_space<semaphore_mem>>
        %dma_start3A_64 = arith.constant 0 : i32
        %dma_start3A_65 = tpu.memref_slice %arg4[%add3A, %dma_start3A_64] : memref<6400x128xi32, #tpu.memory_space<hbm>> -> memref<40x128xi32, #tpu.memory_space<hbm>>
        %dma_start3A_66 = arith.constant 0 : i32
        %dma_start3A_67 = tpu.memref_slice %arg4[%add3A, %dma_start3A_66] : memref<6400x128xi32, #tpu.memory_space<hbm>> -> memref<40x128xi32, #tpu.memory_space<hbm>>
        tpu.enqueue_dma source(%dma_start3A_67 : memref<40x128xi32, #tpu.memory_space<hbm>>) target(%arg8 : memref<40x128xi32, #tpu.memory_space<vmem>>) target_semaphore(%run_scoped3A : memref<!tpu.dma_semaphore, #tpu.memory_space<semaphore_mem>>)
        %dma_wait3A = arith.constant 0 : i32
        %dma_wait3A_68 = tpu.memref_slice %arg4[%add3A, %dma_wait3A] : memref<6400x128xi32, #tpu.memory_space<hbm>> -> memref<40x128xi32, #tpu.memory_space<hbm>>
        %dma_wait3A_69 = arith.constant 0 : i32
        %dma_wait3A_70 = tpu.memref_slice %arg4[%add3A, %dma_wait3A_69] : memref<6400x128xi32, #tpu.memory_space<hbm>> -> memref<40x128xi32, #tpu.memory_space<hbm>>
        tpu.wait_dma2 semaphore(%run_scoped3A : memref<!tpu.dma_semaphore, #tpu.memory_space<semaphore_mem>>) src(%dma_wait3A_70 : memref<40x128xi32, #tpu.memory_space<hbm>>) dst(%arg8 : memref<40x128xi32, #tpu.memory_space<vmem>>)
        tpu.yield
      }) : () -> ()
      %dma_start3A = arith.constant 0 : i32
      %dma_start3A_12 = arith.constant 0 : i32
      %dma_start3A_13 = arith.constant 0 : i32
      %dma_start3A_14 = arith.constant 0 : i32
      %dma_start3A_15 = tpu.memref_slice %arg9[%dma_start3A_12, %dma_start3A_13, %dma_start3A_14] : memref<5x128x32xf32, #tpu.memory_space<vmem>> -> memref<1x128x32xf32, #tpu.memory_space<vmem>>
      %dma_start3A_16 = tpu.memref_squeeze %dma_start3A_15 : memref<1x128x32xf32, #tpu.memory_space<vmem>> -> memref<128x32xf32, #tpu.memory_space<vmem>>
      %dma_start3A_17 = arith.constant 0 : i32
      %dma_start3A_18 = tpu.memref_slice %arg7[%dma_start3A, %dma_start3A_17] : memref<40x128xi32, #tpu.memory_space<vmem>> -> memref<1x128xi32, #tpu.memory_space<vmem>>
      %dma_start3A_19 = tpu.memref_squeeze %dma_start3A_18 : memref<1x128xi32, #tpu.memory_space<vmem>> -> memref<128xi32, #tpu.memory_space<vmem>>
      %dma_start3A_20 = arith.constant 0 : i32
      %dma_start3A_21 = arith.constant 0 : i32
      %dma_start3A_22 = tpu.memref_slice %arg2[%dma_start3A_20, %dma_start3A_21] : memref<100000x32xf32, #tpu.memory_space<hbm>> -> memref<100000x32xf32, #tpu.memory_space<hbm>>
      tpu.enqueue_indirect_dma source(%dma_start3A_22 : memref<100000x32xf32, #tpu.memory_space<hbm>>) target(%dma_start3A_16 : memref<128x32xf32, #tpu.memory_space<vmem>>) offsets(%dma_start3A_19 : memref<128xi32, #tpu.memory_space<vmem>>) semaphore(%arg10 : memref<!tpu.dma_semaphore, #tpu.memory_space<semaphore_mem>>)
      %dma_start3A_23 = arith.constant 1 : i32
      %dma_start3A_24 = arith.constant 1 : i32
      %dma_start3A_25 = arith.constant 0 : i32
      %dma_start3A_26 = arith.constant 0 : i32
      %dma_start3A_27 = tpu.memref_slice %arg9[%dma_start3A_24, %dma_start3A_25, %dma_start3A_26] : memref<5x128x32xf32, #tpu.memory_space<vmem>> -> memref<1x128x32xf32, #tpu.memory_space<vmem>>
      %dma_start3A_28 = tpu.memref_squeeze %dma_start3A_27 : memref<1x128x32xf32, #tpu.memory_space<vmem>> -> memref<128x32xf32, #tpu.memory_space<vmem>>
      %dma_start3A_29 = arith.constant 0 : i32
      %dma_start3A_30 = tpu.memref_slice %arg7[%dma_start3A_23, %dma_start3A_29] : memref<40x128xi32, #tpu.memory_space<vmem>> -> memref<1x128xi32, #tpu.memory_space<vmem>>
      %dma_start3A_31 = tpu.memref_squeeze %dma_start3A_30 : memref<1x128xi32, #tpu.memory_space<vmem>> -> memref<128xi32, #tpu.memory_space<vmem>>
      %dma_start3A_32 = arith.constant 0 : i32
      %dma_start3A_33 = arith.constant 0 : i32
      %dma_start3A_34 = tpu.memref_slice %arg2[%dma_start3A_32, %dma_start3A_33] : memref<100000x32xf32, #tpu.memory_space<hbm>> -> memref<100000x32xf32, #tpu.memory_space<hbm>>
      tpu.enqueue_indirect_dma source(%dma_start3A_34 : memref<100000x32xf32, #tpu.memory_space<hbm>>) target(%dma_start3A_28 : memref<128x32xf32, #tpu.memory_space<vmem>>) offsets(%dma_start3A_31 : memref<128xi32, #tpu.memory_space<vmem>>) semaphore(%arg10 : memref<!tpu.dma_semaphore, #tpu.memory_space<semaphore_mem>>)
      %dma_start3A_35 = arith.constant 2 : i32
      %dma_start3A_36 = arith.constant 2 : i32
      %dma_start3A_37 = arith.constant 0 : i32
      %dma_start3A_38 = arith.constant 0 : i32
      %dma_start3A_39 = tpu.memref_slice %arg9[%dma_start3A_36, %dma_start3A_37, %dma_start3A_38] : memref<5x128x32xf32, #tpu.memory_space<vmem>> -> memref<1x128x32xf32, #tpu.memory_space<vmem>>
      %dma_start3A_40 = tpu.memref_squeeze %dma_start3A_39 : memref<1x128x32xf32, #tpu.memory_space<vmem>> -> memref<128x32xf32, #tpu.memory_space<vmem>>
      %dma_start3A_41 = arith.constant 0 : i32
      %dma_start3A_42 = tpu.memref_slice %arg7[%dma_start3A_35, %dma_start3A_41] : memref<40x128xi32, #tpu.memory_space<vmem>> -> memref<1x128xi32, #tpu.memory_space<vmem>>
      %dma_start3A_43 = tpu.memref_squeeze %dma_start3A_42 : memref<1x128xi32, #tpu.memory_space<vmem>> -> memref<128xi32, #tpu.memory_space<vmem>>
      %dma_start3A_44 = arith.constant 0 : i32
      %dma_start3A_45 = arith.constant 0 : i32
      %dma_start3A_46 = tpu.memref_slice %arg2[%dma_start3A_44, %dma_start3A_45] : memref<100000x32xf32, #tpu.memory_space<hbm>> -> memref<100000x32xf32, #tpu.memory_space<hbm>>
      tpu.enqueue_indirect_dma source(%dma_start3A_46 : memref<100000x32xf32, #tpu.memory_space<hbm>>) target(%dma_start3A_40 : memref<128x32xf32, #tpu.memory_space<vmem>>) offsets(%dma_start3A_43 : memref<128xi32, #tpu.memory_space<vmem>>) semaphore(%arg10 : memref<!tpu.dma_semaphore, #tpu.memory_space<semaphore_mem>>)
      %dma_start3A_47 = arith.constant 3 : i32
      %dma_start3A_48 = arith.constant 3 : i32
      %dma_start3A_49 = arith.constant 0 : i32
      %dma_start3A_50 = arith.constant 0 : i32
      %dma_start3A_51 = tpu.memref_slice %arg9[%dma_start3A_48, %dma_start3A_49, %dma_start3A_50] : memref<5x128x32xf32, #tpu.memory_space<vmem>> -> memref<1x128x32xf32, #tpu.memory_space<vmem>>
      %dma_start3A_52 = tpu.memref_squeeze %dma_start3A_51 : memref<1x128x32xf32, #tpu.memory_space<vmem>> -> memref<128x32xf32, #tpu.memory_space<vmem>>
      %dma_start3A_53 = arith.constant 0 : i32
      %dma_start3A_54 = tpu.memref_slice %arg7[%dma_start3A_47, %dma_start3A_53] : memref<40x128xi32, #tpu.memory_space<vmem>> -> memref<1x128xi32, #tpu.memory_space<vmem>>
      %dma_start3A_55 = tpu.memref_squeeze %dma_start3A_54 : memref<1x128xi32, #tpu.memory_space<vmem>> -> memref<128xi32, #tpu.memory_space<vmem>>
      %dma_start3A_56 = arith.constant 0 : i32
      %dma_start3A_57 = arith.constant 0 : i32
      %dma_start3A_58 = tpu.memref_slice %arg2[%dma_start3A_56, %dma_start3A_57] : memref<100000x32xf32, #tpu.memory_space<hbm>> -> memref<100000x32xf32, #tpu.memory_space<hbm>>
      tpu.enqueue_indirect_dma source(%dma_start3A_58 : memref<100000x32xf32, #tpu.memory_space<hbm>>) target(%dma_start3A_52 : memref<128x32xf32, #tpu.memory_space<vmem>>) offsets(%dma_start3A_55 : memref<128xi32, #tpu.memory_space<vmem>>) semaphore(%arg10 : memref<!tpu.dma_semaphore, #tpu.memory_space<semaphore_mem>>)
      %scan3A_59 = arith.constant 0 : i32
      %scan3A_60 = arith.constant 40 : i32
      %scan3A_61 = arith.addi %scan3A_59, %scan3A_60 : i32
      %scan3A_62 = arith.constant 1 : i32
      scf.for %scan3A_64 = %scan3A_59 to %scan3A_61 step %scan3A_62  : i32 {
        %add3A_65 = arith.constant 5 : i32
        %add3A_66 = arith.addi %scan3A_64, %add3A_65 : i32
        %sub3A = arith.constant 1 : i32
        %sub3A_67 = arith.subi %add3A_66, %sub3A : i32
        %lt3A = arith.constant 40 : i32
        %lt3A_68 = arith.cmpi slt, %sub3A_67, %lt3A : i32
        %convert_element_type3A = arith.extui %lt3A_68 : i1 to i32
        %cond3A = arith.constant 0 : i32
        %cond3A_69 = arith.cmpi ne, %convert_element_type3A, %cond3A : i32
        scf.if %cond3A_69 {
          %add3A_105 = arith.constant 5 : i32
          %add3A_106 = arith.addi %scan3A_64, %add3A_105 : i32
          %sub3A_107 = arith.constant 1 : i32
          %sub3A_108 = arith.subi %add3A_106, %sub3A_107 : i32
          %add3A_109 = arith.constant 5 : i32
          %add3A_110 = arith.addi %scan3A_64, %add3A_109 : i32
          %sub3A_111 = arith.constant 1 : i32
          %sub3A_112 = arith.subi %add3A_110, %sub3A_111 : i32
          %jit3A_113 = arith.constant 5 : i32
          %eq3A_114 = arith.constant 0 : i32
          %eq3A_115 = arith.cmpi eq, %jit3A_113, %eq3A_114 : i32
          %jit3A_116 = arith.constant 1 : i32
          %select_n3A_117 = arith.select %eq3A_115, %jit3A_116, %jit3A_113 : i32
          %rem3A_118 = arith.remsi %sub3A_112, %select_n3A_117 : i32
          %ne3A_119 = arith.constant 0 : i32
          %ne3A_120 = arith.cmpi ne, %rem3A_118, %ne3A_119 : i32
          %lt3A_121 = arith.constant 0 : i32
          %lt3A_122 = arith.cmpi slt, %rem3A_118, %lt3A_121 : i32
          %lt3A_123 = arith.constant 0 : i32
          %lt3A_124 = arith.cmpi slt, %select_n3A_117, %lt3A_123 : i32
          %ne3A_125 = arith.xori %lt3A_122, %lt3A_124 : i1
          %and3A_126 = arith.andi %ne3A_125, %ne3A_120 : i1
          %add3A_127 = arith.addi %rem3A_118, %select_n3A_117 : i32
          %select_n3A_128 = arith.select %and3A_126, %add3A_127, %rem3A_118 : i32
          %dma_start3A_129 = arith.constant 0 : i32
          %dma_start3A_130 = arith.constant 0 : i32
          %dma_start3A_131 = tpu.memref_slice %arg9[%select_n3A_128, %dma_start3A_129, %dma_start3A_130] : memref<5x128x32xf32, #tpu.memory_space<vmem>> -> memref<1x128x32xf32, #tpu.memory_space<vmem>>
          %dma_start3A_132 = tpu.memref_squeeze %dma_start3A_131 : memref<1x128x32xf32, #tpu.memory_space<vmem>> -> memref<128x32xf32, #tpu.memory_space<vmem>>
          %dma_start3A_133 = arith.constant 0 : i32
          %dma_start3A_134 = tpu.memref_slice %arg7[%sub3A_108, %dma_start3A_133] : memref<40x128xi32, #tpu.memory_space<vmem>> -> memref<1x128xi32, #tpu.memory_space<vmem>>
          %dma_start3A_135 = tpu.memref_squeeze %dma_start3A_134 : memref<1x128xi32, #tpu.memory_space<vmem>> -> memref<128xi32, #tpu.memory_space<vmem>>
          %dma_start3A_136 = arith.constant 0 : i32
          %dma_start3A_137 = arith.constant 0 : i32
          %dma_start3A_138 = tpu.memref_slice %arg2[%dma_start3A_136, %dma_start3A_137] : memref<100000x32xf32, #tpu.memory_space<hbm>> -> memref<100000x32xf32, #tpu.memory_space<hbm>>
          tpu.enqueue_indirect_dma source(%dma_start3A_138 : memref<100000x32xf32, #tpu.memory_space<hbm>>) target(%dma_start3A_132 : memref<128x32xf32, #tpu.memory_space<vmem>>) offsets(%dma_start3A_135 : memref<128xi32, #tpu.memory_space<vmem>>) semaphore(%arg10 : memref<!tpu.dma_semaphore, #tpu.memory_space<semaphore_mem>>)
        } else {
        }
        %jit3A = arith.constant 5 : i32
        %eq3A = arith.constant 0 : i32
        %eq3A_70 = arith.cmpi eq, %jit3A, %eq3A : i32
        %jit3A_71 = arith.constant 1 : i32
        %select_n3A = arith.select %eq3A_70, %jit3A_71, %jit3A : i32
        %rem3A = arith.remsi %scan3A_64, %select_n3A : i32
        %ne3A = arith.constant 0 : i32
        %ne3A_72 = arith.cmpi ne, %rem3A, %ne3A : i32
        %lt3A_73 = arith.constant 0 : i32
        %lt3A_74 = arith.cmpi slt, %rem3A, %lt3A_73 : i32
        %lt3A_75 = arith.constant 0 : i32
        %lt3A_76 = arith.cmpi slt, %select_n3A, %lt3A_75 : i32
        %ne3A_77 = arith.xori %lt3A_74, %lt3A_76 : i1
        %and3A = arith.andi %ne3A_77, %ne3A_72 : i1
        %add3A_78 = arith.addi %rem3A, %select_n3A : i32
        %select_n3A_79 = arith.select %and3A, %add3A_78, %rem3A : i32
        %dma_wait3A = arith.constant 0 : i32
        %dma_wait3A_80 = arith.constant 0 : i32
        %dma_wait3A_81 = tpu.memref_slice %arg9[%select_n3A_79, %dma_wait3A, %dma_wait3A_80] : memref<5x128x32xf32, #tpu.memory_space<vmem>> -> memref<1x128x32xf32, #tpu.memory_space<vmem>>
        %dma_wait3A_82 = tpu.memref_squeeze %dma_wait3A_81 : memref<1x128x32xf32, #tpu.memory_space<vmem>> -> memref<128x32xf32, #tpu.memory_space<vmem>>
        %dma_wait3A_83 = arith.constant 0 : i32
        %dma_wait3A_84 = tpu.memref_slice %arg7[%scan3A_64, %dma_wait3A_83] : memref<40x128xi32, #tpu.memory_space<vmem>> -> memref<1x128xi32, #tpu.memory_space<vmem>>
        %dma_wait3A_85 = tpu.memref_squeeze %dma_wait3A_84 : memref<1x128xi32, #tpu.memory_space<vmem>> -> memref<128xi32, #tpu.memory_space<vmem>>
        %dma_wait3A_86 = arith.constant 0 : i32
        %dma_wait3A_87 = arith.constant 0 : i32
        %dma_wait3A_88 = tpu.memref_slice %arg2[%dma_wait3A_86, %dma_wait3A_87] : memref<100000x32xf32, #tpu.memory_space<hbm>> -> memref<100000x32xf32, #tpu.memory_space<hbm>>
        tpu.wait_indirect_dma semaphore(%arg10 : memref<!tpu.dma_semaphore, #tpu.memory_space<semaphore_mem>>) src(%dma_wait3A_88 : memref<100000x32xf32, #tpu.memory_space<hbm>>) dst(%dma_wait3A_82 : memref<128x32xf32, #tpu.memory_space<vmem>>)
        %jit3A_89 = arith.constant 5 : i32
        %eq3A_90 = arith.constant 0 : i32
        %eq3A_91 = arith.cmpi eq, %jit3A_89, %eq3A_90 : i32
        %jit3A_92 = arith.constant 1 : i32
        %select_n3A_93 = arith.select %eq3A_91, %jit3A_92, %jit3A_89 : i32
        %rem3A_94 = arith.remsi %scan3A_64, %select_n3A_93 : i32
        %ne3A_95 = arith.constant 0 : i32
        %ne3A_96 = arith.cmpi ne, %rem3A_94, %ne3A_95 : i32
        %lt3A_97 = arith.constant 0 : i32
        %lt3A_98 = arith.cmpi slt, %rem3A_94, %lt3A_97 : i32
        %lt3A_99 = arith.constant 0 : i32
        %lt3A_100 = arith.cmpi slt, %select_n3A_93, %lt3A_99 : i32
        %ne3A_101 = arith.xori %lt3A_98, %lt3A_100 : i1
        %and3A_102 = arith.andi %ne3A_101, %ne3A_96 : i1
        %add3A_103 = arith.addi %rem3A_94, %select_n3A_93 : i32
        %select_n3A_104 = arith.select %and3A_102, %add3A_103, %rem3A_94 : i32
        "tpu.region"() ({
          %run_scoped3A = tpu.sem_alloc : memref<!tpu.dma_semaphore, #tpu.memory_space<semaphore_mem>>
          %dma_start3A_105 = arith.constant 0 : i32
          %dma_start3A_106 = arith.constant 0 : i32
          %dma_start3A_107 = tpu.memref_slice %arg9[%select_n3A_104, %dma_start3A_105, %dma_start3A_106] : memref<5x128x32xf32, #tpu.memory_space<vmem>> -> memref<1x128x32xf32, #tpu.memory_space<vmem>>
          %dma_start3A_108 = tpu.memref_squeeze %dma_start3A_107 : memref<1x128x32xf32, #tpu.memory_space<vmem>> -> memref<128x32xf32, #tpu.memory_space<vmem>>
          %dma_start3A_109 = arith.constant 0 : i32
          %dma_start3A_110 = tpu.memref_slice %arg8[%scan3A_64, %dma_start3A_109] : memref<40x128xi32, #tpu.memory_space<vmem>> -> memref<1x128xi32, #tpu.memory_space<vmem>>
          %dma_start3A_111 = tpu.memref_squeeze %dma_start3A_110 : memref<1x128xi32, #tpu.memory_space<vmem>> -> memref<128xi32, #tpu.memory_space<vmem>>
          %dma_start3A_112 = arith.constant 0 : i32
          %dma_start3A_113 = arith.constant 0 : i32
          %dma_start3A_114 = tpu.memref_slice %arg11[%dma_start3A_112, %dma_start3A_113] : memref<50048x32xf32, #tpu.memory_space<vmem_shared>> -> memref<50048x32xf32, #tpu.memory_space<vmem_shared>>
          tpu.enqueue_indirect_dma source(%dma_start3A_108 : memref<128x32xf32, #tpu.memory_space<vmem>>) target(%dma_start3A_114 : memref<50048x32xf32, #tpu.memory_space<vmem_shared>>) offsets(%dma_start3A_111 : memref<128xi32, #tpu.memory_space<vmem>>) semaphore(%run_scoped3A : memref<!tpu.dma_semaphore, #tpu.memory_space<semaphore_mem>>) {add = true}
          %dma_wait3A_115 = arith.constant 0 : i32
          %dma_wait3A_116 = arith.constant 0 : i32
          %dma_wait3A_117 = tpu.memref_slice %arg9[%select_n3A_104, %dma_wait3A_115, %dma_wait3A_116] : memref<5x128x32xf32, #tpu.memory_space<vmem>> -> memref<1x128x32xf32, #tpu.memory_space<vmem>>
          %dma_wait3A_118 = tpu.memref_squeeze %dma_wait3A_117 : memref<1x128x32xf32, #tpu.memory_space<vmem>> -> memref<128x32xf32, #tpu.memory_space<vmem>>
          %dma_wait3A_119 = arith.constant 0 : i32
          %dma_wait3A_120 = tpu.memref_slice %arg8[%scan3A_64, %dma_wait3A_119] : memref<40x128xi32, #tpu.memory_space<vmem>> -> memref<1x128xi32, #tpu.memory_space<vmem>>
          %dma_wait3A_121 = tpu.memref_squeeze %dma_wait3A_120 : memref<1x128xi32, #tpu.memory_space<vmem>> -> memref<128xi32, #tpu.memory_space<vmem>>
          %dma_wait3A_122 = arith.constant 0 : i32
          %dma_wait3A_123 = arith.constant 0 : i32
          %dma_wait3A_124 = tpu.memref_slice %arg11[%dma_wait3A_122, %dma_wait3A_123] : memref<50048x32xf32, #tpu.memory_space<vmem_shared>> -> memref<50048x32xf32, #tpu.memory_space<vmem_shared>>
          tpu.wait_indirect_dma semaphore(%run_scoped3A : memref<!tpu.dma_semaphore, #tpu.memory_space<semaphore_mem>>) src(%dma_wait3A_118 : memref<128x32xf32, #tpu.memory_space<vmem>>) dst(%dma_wait3A_124 : memref<50048x32xf32, #tpu.memory_space<vmem_shared>>)
          tpu.yield
        }) : () -> ()
      }
      %scan3A_63 = arith.constant 40 : i32
    }
    %scan3A_7 = arith.constant 10 : i32
    %barrier3A_8 = arith.constant 0 : index
    tpu.barrier barrier_id(%barrier3A_8)
    "tpu.region"() ({
      %run_scoped3A = tpu.sem_alloc : memref<!tpu.dma_semaphore, #tpu.memory_space<semaphore_mem>>
      %dma_start3A = arith.constant 0 : i32
      %dma_start3A_9 = tpu.memref_slice %arg6[%arg0, %mul3A_0, %dma_start3A] : memref<2x50048x32xf32, #tpu.memory_space<hbm>> -> memref<1x3128x32xf32, #tpu.memory_space<hbm>>
      %dma_start3A_10 = tpu.memref_squeeze %dma_start3A_9 : memref<1x3128x32xf32, #tpu.memory_space<hbm>> -> memref<3128x32xf32, #tpu.memory_space<hbm>>
      %dma_start3A_11 = arith.constant 0 : i32
      %dma_start3A_12 = tpu.memref_slice %arg11[%mul3A_0, %dma_start3A_11] : memref<50048x32xf32, #tpu.memory_space<vmem_shared>> -> memref<3128x32xf32, #tpu.memory_space<vmem_shared>>
      tpu.enqueue_dma source(%dma_start3A_12 : memref<3128x32xf32, #tpu.memory_space<vmem_shared>>) target(%dma_start3A_10 : memref<3128x32xf32, #tpu.memory_space<hbm>>) target_semaphore(%run_scoped3A : memref<!tpu.dma_semaphore, #tpu.memory_space<semaphore_mem>>)
      %dma_wait3A = arith.constant 0 : i32
      %dma_wait3A_13 = tpu.memref_slice %arg6[%arg0, %mul3A_0, %dma_wait3A] : memref<2x50048x32xf32, #tpu.memory_space<hbm>> -> memref<1x3128x32xf32, #tpu.memory_space<hbm>>
      %dma_wait3A_14 = tpu.memref_squeeze %dma_wait3A_13 : memref<1x3128x32xf32, #tpu.memory_space<hbm>> -> memref<3128x32xf32, #tpu.memory_space<hbm>>
      %dma_wait3A_15 = arith.constant 0 : i32
      %dma_wait3A_16 = tpu.memref_slice %arg11[%mul3A_0, %dma_wait3A_15] : memref<50048x32xf32, #tpu.memory_space<vmem_shared>> -> memref<3128x32xf32, #tpu.memory_space<vmem_shared>>
      tpu.wait_dma2 semaphore(%run_scoped3A : memref<!tpu.dma_semaphore, #tpu.memory_space<semaphore_mem>>) src(%dma_wait3A_16 : memref<3128x32xf32, #tpu.memory_space<vmem_shared>>) dst(%dma_wait3A_14 : memref<3128x32xf32, #tpu.memory_space<hbm>>)
      tpu.yield
    }) : () -> ()
    return
  }
}

#map = affine_map<(d0, d1) -> (0, 0)>
#map1 = affine_map<(d0, d1) -> (0, 0, 0)>
module attributes {stable_mosaic.version = 14 : i64} {
  func.func @_scb_body(%arg0: i32, %arg1: i32, %arg2: memref<100000x32xf32, #tpu.memory_space<hbm>>, %arg3: memref<2x6400x128xi32, #tpu.memory_space<hbm>>, %arg4: memref<6400x128xi32, #tpu.memory_space<hbm>>, %arg5: memref<50048x32xf32, #tpu.memory_space<hbm>>, %arg6: memref<2x50048x32xf32, #tpu.memory_space<hbm>>, %arg7: memref<40x128xi32, #tpu.memory_space<vmem>>, %arg8: memref<40x128xi32, #tpu.memory_space<vmem>>, %arg9: memref<5x128x32xf32, #tpu.memory_space<vmem>>, %arg10: memref<!tpu.dma_semaphore, #tpu.memory_space<semaphore_mem>>, %arg11: memref<50048x32xf32, #tpu.memory_space<vmem_shared>>) attributes {dimension_semantics = [#tpu.dimension_semantics<core_parallel>, #tpu.dimension_semantics<subcore_parallel>], iteration_bounds = array<i64: 2, 16>, scalar_prefetch = 0 : i64, scratch_operands = 5 : i64, tpu.core_type = #tpu.core_type<sc_vector_subcore>, window_params = [{transform_indices = #map}, {transform_indices = #map1}, {transform_indices = #map}, {transform_indices = #map}, {transform_indices = #map1}]} {
    %mul3A = arith.constant 3128 : i32
    %mul3A_0 = arith.muli %arg1, %mul3A : i32
    "tpu.region"() ({
      %run_scoped3A = tpu.sem_alloc : memref<!tpu.dma_semaphore, #tpu.memory_space<semaphore_mem>>
      %dma_start3A = arith.constant 0 : i32
      %dma_start3A_9 = tpu.memref_slice %arg11[%mul3A_0, %dma_start3A] : memref<50048x32xf32, #tpu.memory_space<vmem_shared>> -> memref<3128x32xf32, #tpu.memory_space<vmem_shared>>
      %dma_start3A_10 = arith.constant 0 : i32
      %dma_start3A_11 = tpu.memref_slice %arg5[%mul3A_0, %dma_start3A_10] : memref<50048x32xf32, #tpu.memory_space<hbm>> -> memref<3128x32xf32, #tpu.memory_space<hbm>>
      tpu.enqueue_dma source(%dma_start3A_11 : memref<3128x32xf32, #tpu.memory_space<hbm>>) target(%dma_start3A_9 : memref<3128x32xf32, #tpu.memory_space<vmem_shared>>) target_semaphore(%run_scoped3A : memref<!tpu.dma_semaphore, #tpu.memory_space<semaphore_mem>>)
      %dma_wait3A = arith.constant 0 : i32
      %dma_wait3A_12 = tpu.memref_slice %arg11[%mul3A_0, %dma_wait3A] : memref<50048x32xf32, #tpu.memory_space<vmem_shared>> -> memref<3128x32xf32, #tpu.memory_space<vmem_shared>>
      %dma_wait3A_13 = arith.constant 0 : i32
      %dma_wait3A_14 = tpu.memref_slice %arg5[%mul3A_0, %dma_wait3A_13] : memref<50048x32xf32, #tpu.memory_space<hbm>> -> memref<3128x32xf32, #tpu.memory_space<hbm>>
      tpu.wait_dma2 semaphore(%run_scoped3A : memref<!tpu.dma_semaphore, #tpu.memory_space<semaphore_mem>>) src(%dma_wait3A_14 : memref<3128x32xf32, #tpu.memory_space<hbm>>) dst(%dma_wait3A_12 : memref<3128x32xf32, #tpu.memory_space<vmem_shared>>)
      tpu.yield
    }) : () -> ()
    %barrier3A = arith.constant 0 : index
    tpu.barrier barrier_id(%barrier3A)
    %mul3A_1 = arith.constant 400 : i32
    %mul3A_2 = arith.muli %arg1, %mul3A_1 : i32
    %scan3A = arith.constant 0 : i32
    %scan3A_3 = arith.constant 0 : i32
    %scan3A_4 = arith.constant 10 : i32
    %scan3A_5 = arith.addi %scan3A_3, %scan3A_4 : i32
    %scan3A_6 = arith.constant 1 : i32
    scf.for %scan3A_9 = %scan3A_3 to %scan3A_5 step %scan3A_6  : i32 {
      %mul3A_10 = arith.constant 40 : i32
      %mul3A_11 = arith.muli %scan3A_9, %mul3A_10 : i32
      %add3A = arith.addi %mul3A_2, %mul3A_11 : i32
      "tpu.region"() ({
        %run_scoped3A = tpu.sem_alloc : memref<!tpu.dma_semaphore, #tpu.memory_space<semaphore_mem>>
        %dma_start3A_64 = arith.constant 0 : i32
        %dma_start3A_65 = tpu.memref_slice %arg3[%arg0, %add3A, %dma_start3A_64] : memref<2x6400x128xi32, #tpu.memory_space<hbm>> -> memref<1x40x128xi32, #tpu.memory_space<hbm>>
        %dma_start3A_66 = tpu.memref_squeeze %dma_start3A_65 : memref<1x40x128xi32, #tpu.memory_space<hbm>> -> memref<40x128xi32, #tpu.memory_space<hbm>>
        %dma_start3A_67 = arith.constant 0 : i32
        %dma_start3A_68 = tpu.memref_slice %arg3[%arg0, %add3A, %dma_start3A_67] : memref<2x6400x128xi32, #tpu.memory_space<hbm>> -> memref<1x40x128xi32, #tpu.memory_space<hbm>>
        %dma_start3A_69 = tpu.memref_squeeze %dma_start3A_68 : memref<1x40x128xi32, #tpu.memory_space<hbm>> -> memref<40x128xi32, #tpu.memory_space<hbm>>
        tpu.enqueue_dma source(%dma_start3A_69 : memref<40x128xi32, #tpu.memory_space<hbm>>) target(%arg7 : memref<40x128xi32, #tpu.memory_space<vmem>>) target_semaphore(%run_scoped3A : memref<!tpu.dma_semaphore, #tpu.memory_space<semaphore_mem>>)
        %dma_wait3A = arith.constant 0 : i32
        %dma_wait3A_70 = tpu.memref_slice %arg3[%arg0, %add3A, %dma_wait3A] : memref<2x6400x128xi32, #tpu.memory_space<hbm>> -> memref<1x40x128xi32, #tpu.memory_space<hbm>>
        %dma_wait3A_71 = tpu.memref_squeeze %dma_wait3A_70 : memref<1x40x128xi32, #tpu.memory_space<hbm>> -> memref<40x128xi32, #tpu.memory_space<hbm>>
        %dma_wait3A_72 = arith.constant 0 : i32
        %dma_wait3A_73 = tpu.memref_slice %arg3[%arg0, %add3A, %dma_wait3A_72] : memref<2x6400x128xi32, #tpu.memory_space<hbm>> -> memref<1x40x128xi32, #tpu.memory_space<hbm>>
        %dma_wait3A_74 = tpu.memref_squeeze %dma_wait3A_73 : memref<1x40x128xi32, #tpu.memory_space<hbm>> -> memref<40x128xi32, #tpu.memory_space<hbm>>
        tpu.wait_dma2 semaphore(%run_scoped3A : memref<!tpu.dma_semaphore, #tpu.memory_space<semaphore_mem>>) src(%dma_wait3A_74 : memref<40x128xi32, #tpu.memory_space<hbm>>) dst(%arg7 : memref<40x128xi32, #tpu.memory_space<vmem>>)
        tpu.yield
      }) : () -> ()
      "tpu.region"() ({
        %run_scoped3A = tpu.sem_alloc : memref<!tpu.dma_semaphore, #tpu.memory_space<semaphore_mem>>
        %dma_start3A_64 = arith.constant 0 : i32
        %dma_start3A_65 = tpu.memref_slice %arg4[%add3A, %dma_start3A_64] : memref<6400x128xi32, #tpu.memory_space<hbm>> -> memref<40x128xi32, #tpu.memory_space<hbm>>
        %dma_start3A_66 = arith.constant 0 : i32
        %dma_start3A_67 = tpu.memref_slice %arg4[%add3A, %dma_start3A_66] : memref<6400x128xi32, #tpu.memory_space<hbm>> -> memref<40x128xi32, #tpu.memory_space<hbm>>
        tpu.enqueue_dma source(%dma_start3A_67 : memref<40x128xi32, #tpu.memory_space<hbm>>) target(%arg8 : memref<40x128xi32, #tpu.memory_space<vmem>>) target_semaphore(%run_scoped3A : memref<!tpu.dma_semaphore, #tpu.memory_space<semaphore_mem>>)
        %dma_wait3A = arith.constant 0 : i32
        %dma_wait3A_68 = tpu.memref_slice %arg4[%add3A, %dma_wait3A] : memref<6400x128xi32, #tpu.memory_space<hbm>> -> memref<40x128xi32, #tpu.memory_space<hbm>>
        %dma_wait3A_69 = arith.constant 0 : i32
        %dma_wait3A_70 = tpu.memref_slice %arg4[%add3A, %dma_wait3A_69] : memref<6400x128xi32, #tpu.memory_space<hbm>> -> memref<40x128xi32, #tpu.memory_space<hbm>>
        tpu.wait_dma2 semaphore(%run_scoped3A : memref<!tpu.dma_semaphore, #tpu.memory_space<semaphore_mem>>) src(%dma_wait3A_70 : memref<40x128xi32, #tpu.memory_space<hbm>>) dst(%arg8 : memref<40x128xi32, #tpu.memory_space<vmem>>)
        tpu.yield
      }) : () -> ()
      %dma_start3A = arith.constant 0 : i32
      %dma_start3A_12 = arith.constant 0 : i32
      %dma_start3A_13 = arith.constant 0 : i32
      %dma_start3A_14 = arith.constant 0 : i32
      %dma_start3A_15 = tpu.memref_slice %arg9[%dma_start3A_12, %dma_start3A_13, %dma_start3A_14] : memref<5x128x32xf32, #tpu.memory_space<vmem>> -> memref<1x128x32xf32, #tpu.memory_space<vmem>>
      %dma_start3A_16 = tpu.memref_squeeze %dma_start3A_15 : memref<1x128x32xf32, #tpu.memory_space<vmem>> -> memref<128x32xf32, #tpu.memory_space<vmem>>
      %dma_start3A_17 = arith.constant 0 : i32
      %dma_start3A_18 = tpu.memref_slice %arg7[%dma_start3A, %dma_start3A_17] : memref<40x128xi32, #tpu.memory_space<vmem>> -> memref<1x128xi32, #tpu.memory_space<vmem>>
      %dma_start3A_19 = tpu.memref_squeeze %dma_start3A_18 : memref<1x128xi32, #tpu.memory_space<vmem>> -> memref<128xi32, #tpu.memory_space<vmem>>
      %dma_start3A_20 = arith.constant 0 : i32
      %dma_start3A_21 = arith.constant 0 : i32
      %dma_start3A_22 = tpu.memref_slice %arg2[%dma_start3A_20, %dma_start3A_21] : memref<100000x32xf32, #tpu.memory_space<hbm>> -> memref<100000x32xf32, #tpu.memory_space<hbm>>
      tpu.enqueue_indirect_dma source(%dma_start3A_22 : memref<100000x32xf32, #tpu.memory_space<hbm>>) target(%dma_start3A_16 : memref<128x32xf32, #tpu.memory_space<vmem>>) offsets(%dma_start3A_19 : memref<128xi32, #tpu.memory_space<vmem>>) semaphore(%arg10 : memref<!tpu.dma_semaphore, #tpu.memory_space<semaphore_mem>>)
      %dma_start3A_23 = arith.constant 1 : i32
      %dma_start3A_24 = arith.constant 1 : i32
      %dma_start3A_25 = arith.constant 0 : i32
      %dma_start3A_26 = arith.constant 0 : i32
      %dma_start3A_27 = tpu.memref_slice %arg9[%dma_start3A_24, %dma_start3A_25, %dma_start3A_26] : memref<5x128x32xf32, #tpu.memory_space<vmem>> -> memref<1x128x32xf32, #tpu.memory_space<vmem>>
      %dma_start3A_28 = tpu.memref_squeeze %dma_start3A_27 : memref<1x128x32xf32, #tpu.memory_space<vmem>> -> memref<128x32xf32, #tpu.memory_space<vmem>>
      %dma_start3A_29 = arith.constant 0 : i32
      %dma_start3A_30 = tpu.memref_slice %arg7[%dma_start3A_23, %dma_start3A_29] : memref<40x128xi32, #tpu.memory_space<vmem>> -> memref<1x128xi32, #tpu.memory_space<vmem>>
      %dma_start3A_31 = tpu.memref_squeeze %dma_start3A_30 : memref<1x128xi32, #tpu.memory_space<vmem>> -> memref<128xi32, #tpu.memory_space<vmem>>
      %dma_start3A_32 = arith.constant 0 : i32
      %dma_start3A_33 = arith.constant 0 : i32
      %dma_start3A_34 = tpu.memref_slice %arg2[%dma_start3A_32, %dma_start3A_33] : memref<100000x32xf32, #tpu.memory_space<hbm>> -> memref<100000x32xf32, #tpu.memory_space<hbm>>
      tpu.enqueue_indirect_dma source(%dma_start3A_34 : memref<100000x32xf32, #tpu.memory_space<hbm>>) target(%dma_start3A_28 : memref<128x32xf32, #tpu.memory_space<vmem>>) offsets(%dma_start3A_31 : memref<128xi32, #tpu.memory_space<vmem>>) semaphore(%arg10 : memref<!tpu.dma_semaphore, #tpu.memory_space<semaphore_mem>>)
      %dma_start3A_35 = arith.constant 2 : i32
      %dma_start3A_36 = arith.constant 2 : i32
      %dma_start3A_37 = arith.constant 0 : i32
      %dma_start3A_38 = arith.constant 0 : i32
      %dma_start3A_39 = tpu.memref_slice %arg9[%dma_start3A_36, %dma_start3A_37, %dma_start3A_38] : memref<5x128x32xf32, #tpu.memory_space<vmem>> -> memref<1x128x32xf32, #tpu.memory_space<vmem>>
      %dma_start3A_40 = tpu.memref_squeeze %dma_start3A_39 : memref<1x128x32xf32, #tpu.memory_space<vmem>> -> memref<128x32xf32, #tpu.memory_space<vmem>>
      %dma_start3A_41 = arith.constant 0 : i32
      %dma_start3A_42 = tpu.memref_slice %arg7[%dma_start3A_35, %dma_start3A_41] : memref<40x128xi32, #tpu.memory_space<vmem>> -> memref<1x128xi32, #tpu.memory_space<vmem>>
      %dma_start3A_43 = tpu.memref_squeeze %dma_start3A_42 : memref<1x128xi32, #tpu.memory_space<vmem>> -> memref<128xi32, #tpu.memory_space<vmem>>
      %dma_start3A_44 = arith.constant 0 : i32
      %dma_start3A_45 = arith.constant 0 : i32
      %dma_start3A_46 = tpu.memref_slice %arg2[%dma_start3A_44, %dma_start3A_45] : memref<100000x32xf32, #tpu.memory_space<hbm>> -> memref<100000x32xf32, #tpu.memory_space<hbm>>
      tpu.enqueue_indirect_dma source(%dma_start3A_46 : memref<100000x32xf32, #tpu.memory_space<hbm>>) target(%dma_start3A_40 : memref<128x32xf32, #tpu.memory_space<vmem>>) offsets(%dma_start3A_43 : memref<128xi32, #tpu.memory_space<vmem>>) semaphore(%arg10 : memref<!tpu.dma_semaphore, #tpu.memory_space<semaphore_mem>>)
      %dma_start3A_47 = arith.constant 3 : i32
      %dma_start3A_48 = arith.constant 3 : i32
      %dma_start3A_49 = arith.constant 0 : i32
      %dma_start3A_50 = arith.constant 0 : i32
      %dma_start3A_51 = tpu.memref_slice %arg9[%dma_start3A_48, %dma_start3A_49, %dma_start3A_50] : memref<5x128x32xf32, #tpu.memory_space<vmem>> -> memref<1x128x32xf32, #tpu.memory_space<vmem>>
      %dma_start3A_52 = tpu.memref_squeeze %dma_start3A_51 : memref<1x128x32xf32, #tpu.memory_space<vmem>> -> memref<128x32xf32, #tpu.memory_space<vmem>>
      %dma_start3A_53 = arith.constant 0 : i32
      %dma_start3A_54 = tpu.memref_slice %arg7[%dma_start3A_47, %dma_start3A_53] : memref<40x128xi32, #tpu.memory_space<vmem>> -> memref<1x128xi32, #tpu.memory_space<vmem>>
      %dma_start3A_55 = tpu.memref_squeeze %dma_start3A_54 : memref<1x128xi32, #tpu.memory_space<vmem>> -> memref<128xi32, #tpu.memory_space<vmem>>
      %dma_start3A_56 = arith.constant 0 : i32
      %dma_start3A_57 = arith.constant 0 : i32
      %dma_start3A_58 = tpu.memref_slice %arg2[%dma_start3A_56, %dma_start3A_57] : memref<100000x32xf32, #tpu.memory_space<hbm>> -> memref<100000x32xf32, #tpu.memory_space<hbm>>
      tpu.enqueue_indirect_dma source(%dma_start3A_58 : memref<100000x32xf32, #tpu.memory_space<hbm>>) target(%dma_start3A_52 : memref<128x32xf32, #tpu.memory_space<vmem>>) offsets(%dma_start3A_55 : memref<128xi32, #tpu.memory_space<vmem>>) semaphore(%arg10 : memref<!tpu.dma_semaphore, #tpu.memory_space<semaphore_mem>>)
      %scan3A_59 = arith.constant 0 : i32
      %scan3A_60 = arith.constant 40 : i32
      %scan3A_61 = arith.addi %scan3A_59, %scan3A_60 : i32
      %scan3A_62 = arith.constant 1 : i32
      scf.for %scan3A_64 = %scan3A_59 to %scan3A_61 step %scan3A_62  : i32 {
        %add3A_65 = arith.constant 5 : i32
        %add3A_66 = arith.addi %scan3A_64, %add3A_65 : i32
        %sub3A = arith.constant 1 : i32
        %sub3A_67 = arith.subi %add3A_66, %sub3A : i32
        %lt3A = arith.constant 40 : i32
        %lt3A_68 = arith.cmpi slt, %sub3A_67, %lt3A : i32
        %convert_element_type3A = arith.extui %lt3A_68 : i1 to i32
        %cond3A = arith.constant 0 : i32
        %cond3A_69 = arith.cmpi ne, %convert_element_type3A, %cond3A : i32
        scf.if %cond3A_69 {
          %add3A_105 = arith.constant 5 : i32
          %add3A_106 = arith.addi %scan3A_64, %add3A_105 : i32
          %sub3A_107 = arith.constant 1 : i32
          %sub3A_108 = arith.subi %add3A_106, %sub3A_107 : i32
          %add3A_109 = arith.constant 5 : i32
          %add3A_110 = arith.addi %scan3A_64, %add3A_109 : i32
          %sub3A_111 = arith.constant 1 : i32
          %sub3A_112 = arith.subi %add3A_110, %sub3A_111 : i32
          %jit3A_113 = arith.constant 5 : i32
          %eq3A_114 = arith.constant 0 : i32
          %eq3A_115 = arith.cmpi eq, %jit3A_113, %eq3A_114 : i32
          %jit3A_116 = arith.constant 1 : i32
          %select_n3A_117 = arith.select %eq3A_115, %jit3A_116, %jit3A_113 : i32
          %rem3A_118 = arith.remsi %sub3A_112, %select_n3A_117 : i32
          %ne3A_119 = arith.constant 0 : i32
          %ne3A_120 = arith.cmpi ne, %rem3A_118, %ne3A_119 : i32
          %lt3A_121 = arith.constant 0 : i32
          %lt3A_122 = arith.cmpi slt, %rem3A_118, %lt3A_121 : i32
          %lt3A_123 = arith.constant 0 : i32
          %lt3A_124 = arith.cmpi slt, %select_n3A_117, %lt3A_123 : i32
          %ne3A_125 = arith.xori %lt3A_122, %lt3A_124 : i1
          %and3A_126 = arith.andi %ne3A_125, %ne3A_120 : i1
          %add3A_127 = arith.addi %rem3A_118, %select_n3A_117 : i32
          %select_n3A_128 = arith.select %and3A_126, %add3A_127, %rem3A_118 : i32
          %dma_start3A_129 = arith.constant 0 : i32
          %dma_start3A_130 = arith.constant 0 : i32
          %dma_start3A_131 = tpu.memref_slice %arg9[%select_n3A_128, %dma_start3A_129, %dma_start3A_130] : memref<5x128x32xf32, #tpu.memory_space<vmem>> -> memref<1x128x32xf32, #tpu.memory_space<vmem>>
          %dma_start3A_132 = tpu.memref_squeeze %dma_start3A_131 : memref<1x128x32xf32, #tpu.memory_space<vmem>> -> memref<128x32xf32, #tpu.memory_space<vmem>>
          %dma_start3A_133 = arith.constant 0 : i32
          %dma_start3A_134 = tpu.memref_slice %arg7[%sub3A_108, %dma_start3A_133] : memref<40x128xi32, #tpu.memory_space<vmem>> -> memref<1x128xi32, #tpu.memory_space<vmem>>
          %dma_start3A_135 = tpu.memref_squeeze %dma_start3A_134 : memref<1x128xi32, #tpu.memory_space<vmem>> -> memref<128xi32, #tpu.memory_space<vmem>>
          %dma_start3A_136 = arith.constant 0 : i32
          %dma_start3A_137 = arith.constant 0 : i32
          %dma_start3A_138 = tpu.memref_slice %arg2[%dma_start3A_136, %dma_start3A_137] : memref<100000x32xf32, #tpu.memory_space<hbm>> -> memref<100000x32xf32, #tpu.memory_space<hbm>>
          tpu.enqueue_indirect_dma source(%dma_start3A_138 : memref<100000x32xf32, #tpu.memory_space<hbm>>) target(%dma_start3A_132 : memref<128x32xf32, #tpu.memory_space<vmem>>) offsets(%dma_start3A_135 : memref<128xi32, #tpu.memory_space<vmem>>) semaphore(%arg10 : memref<!tpu.dma_semaphore, #tpu.memory_space<semaphore_mem>>)
        } else {
        }
        %jit3A = arith.constant 5 : i32
        %eq3A = arith.constant 0 : i32
        %eq3A_70 = arith.cmpi eq, %jit3A, %eq3A : i32
        %jit3A_71 = arith.constant 1 : i32
        %select_n3A = arith.select %eq3A_70, %jit3A_71, %jit3A : i32
        %rem3A = arith.remsi %scan3A_64, %select_n3A : i32
        %ne3A = arith.constant 0 : i32
        %ne3A_72 = arith.cmpi ne, %rem3A, %ne3A : i32
        %lt3A_73 = arith.constant 0 : i32
        %lt3A_74 = arith.cmpi slt, %rem3A, %lt3A_73 : i32
        %lt3A_75 = arith.constant 0 : i32
        %lt3A_76 = arith.cmpi slt, %select_n3A, %lt3A_75 : i32
        %ne3A_77 = arith.xori %lt3A_74, %lt3A_76 : i1
        %and3A = arith.andi %ne3A_77, %ne3A_72 : i1
        %add3A_78 = arith.addi %rem3A, %select_n3A : i32
        %select_n3A_79 = arith.select %and3A, %add3A_78, %rem3A : i32
        %dma_wait3A = arith.constant 0 : i32
        %dma_wait3A_80 = arith.constant 0 : i32
        %dma_wait3A_81 = tpu.memref_slice %arg9[%select_n3A_79, %dma_wait3A, %dma_wait3A_80] : memref<5x128x32xf32, #tpu.memory_space<vmem>> -> memref<1x128x32xf32, #tpu.memory_space<vmem>>
        %dma_wait3A_82 = tpu.memref_squeeze %dma_wait3A_81 : memref<1x128x32xf32, #tpu.memory_space<vmem>> -> memref<128x32xf32, #tpu.memory_space<vmem>>
        %dma_wait3A_83 = arith.constant 0 : i32
        %dma_wait3A_84 = tpu.memref_slice %arg7[%scan3A_64, %dma_wait3A_83] : memref<40x128xi32, #tpu.memory_space<vmem>> -> memref<1x128xi32, #tpu.memory_space<vmem>>
        %dma_wait3A_85 = tpu.memref_squeeze %dma_wait3A_84 : memref<1x128xi32, #tpu.memory_space<vmem>> -> memref<128xi32, #tpu.memory_space<vmem>>
        %dma_wait3A_86 = arith.constant 0 : i32
        %dma_wait3A_87 = arith.constant 0 : i32
        %dma_wait3A_88 = tpu.memref_slice %arg2[%dma_wait3A_86, %dma_wait3A_87] : memref<100000x32xf32, #tpu.memory_space<hbm>> -> memref<100000x32xf32, #tpu.memory_space<hbm>>
        tpu.wait_indirect_dma semaphore(%arg10 : memref<!tpu.dma_semaphore, #tpu.memory_space<semaphore_mem>>) src(%dma_wait3A_88 : memref<100000x32xf32, #tpu.memory_space<hbm>>) dst(%dma_wait3A_82 : memref<128x32xf32, #tpu.memory_space<vmem>>)
        %jit3A_89 = arith.constant 5 : i32
        %eq3A_90 = arith.constant 0 : i32
        %eq3A_91 = arith.cmpi eq, %jit3A_89, %eq3A_90 : i32
        %jit3A_92 = arith.constant 1 : i32
        %select_n3A_93 = arith.select %eq3A_91, %jit3A_92, %jit3A_89 : i32
        %rem3A_94 = arith.remsi %scan3A_64, %select_n3A_93 : i32
        %ne3A_95 = arith.constant 0 : i32
        %ne3A_96 = arith.cmpi ne, %rem3A_94, %ne3A_95 : i32
        %lt3A_97 = arith.constant 0 : i32
        %lt3A_98 = arith.cmpi slt, %rem3A_94, %lt3A_97 : i32
        %lt3A_99 = arith.constant 0 : i32
        %lt3A_100 = arith.cmpi slt, %select_n3A_93, %lt3A_99 : i32
        %ne3A_101 = arith.xori %lt3A_98, %lt3A_100 : i1
        %and3A_102 = arith.andi %ne3A_101, %ne3A_96 : i1
        %add3A_103 = arith.addi %rem3A_94, %select_n3A_93 : i32
        %select_n3A_104 = arith.select %and3A_102, %add3A_103, %rem3A_94 : i32
        "tpu.region"() ({
          %run_scoped3A = tpu.sem_alloc : memref<!tpu.dma_semaphore, #tpu.memory_space<semaphore_mem>>
          %dma_start3A_105 = arith.constant 0 : i32
          %dma_start3A_106 = arith.constant 0 : i32
          %dma_start3A_107 = tpu.memref_slice %arg9[%select_n3A_104, %dma_start3A_105, %dma_start3A_106] : memref<5x128x32xf32, #tpu.memory_space<vmem>> -> memref<1x128x32xf32, #tpu.memory_space<vmem>>
          %dma_start3A_108 = tpu.memref_squeeze %dma_start3A_107 : memref<1x128x32xf32, #tpu.memory_space<vmem>> -> memref<128x32xf32, #tpu.memory_space<vmem>>
          %dma_start3A_109 = arith.constant 0 : i32
          %dma_start3A_110 = tpu.memref_slice %arg8[%scan3A_64, %dma_start3A_109] : memref<40x128xi32, #tpu.memory_space<vmem>> -> memref<1x128xi32, #tpu.memory_space<vmem>>
          %dma_start3A_111 = tpu.memref_squeeze %dma_start3A_110 : memref<1x128xi32, #tpu.memory_space<vmem>> -> memref<128xi32, #tpu.memory_space<vmem>>
          %dma_start3A_112 = arith.constant 0 : i32
          %dma_start3A_113 = arith.constant 0 : i32
          %dma_start3A_114 = tpu.memref_slice %arg11[%dma_start3A_112, %dma_start3A_113] : memref<50048x32xf32, #tpu.memory_space<vmem_shared>> -> memref<50048x32xf32, #tpu.memory_space<vmem_shared>>
          tpu.enqueue_indirect_dma source(%dma_start3A_108 : memref<128x32xf32, #tpu.memory_space<vmem>>) target(%dma_start3A_114 : memref<50048x32xf32, #tpu.memory_space<vmem_shared>>) offsets(%dma_start3A_111 : memref<128xi32, #tpu.memory_space<vmem>>) semaphore(%run_scoped3A : memref<!tpu.dma_semaphore, #tpu.memory_space<semaphore_mem>>) {add = true}
          %dma_wait3A_115 = arith.constant 0 : i32
          %dma_wait3A_116 = arith.constant 0 : i32
          %dma_wait3A_117 = tpu.memref_slice %arg9[%select_n3A_104, %dma_wait3A_115, %dma_wait3A_116] : memref<5x128x32xf32, #tpu.memory_space<vmem>> -> memref<1x128x32xf32, #tpu.memory_space<vmem>>
          %dma_wait3A_118 = tpu.memref_squeeze %dma_wait3A_117 : memref<1x128x32xf32, #tpu.memory_space<vmem>> -> memref<128x32xf32, #tpu.memory_space<vmem>>
          %dma_wait3A_119 = arith.constant 0 : i32
          %dma_wait3A_120 = tpu.memref_slice %arg8[%scan3A_64, %dma_wait3A_119] : memref<40x128xi32, #tpu.memory_space<vmem>> -> memref<1x128xi32, #tpu.memory_space<vmem>>
          %dma_wait3A_121 = tpu.memref_squeeze %dma_wait3A_120 : memref<1x128xi32, #tpu.memory_space<vmem>> -> memref<128xi32, #tpu.memory_space<vmem>>
          %dma_wait3A_122 = arith.constant 0 : i32
          %dma_wait3A_123 = arith.constant 0 : i32
          %dma_wait3A_124 = tpu.memref_slice %arg11[%dma_wait3A_122, %dma_wait3A_123] : memref<50048x32xf32, #tpu.memory_space<vmem_shared>> -> memref<50048x32xf32, #tpu.memory_space<vmem_shared>>
          tpu.wait_indirect_dma semaphore(%run_scoped3A : memref<!tpu.dma_semaphore, #tpu.memory_space<semaphore_mem>>) src(%dma_wait3A_118 : memref<128x32xf32, #tpu.memory_space<vmem>>) dst(%dma_wait3A_124 : memref<50048x32xf32, #tpu.memory_space<vmem_shared>>)
          tpu.yield
        }) : () -> ()
      }
      %scan3A_63 = arith.constant 40 : i32
    }
    %scan3A_7 = arith.constant 10 : i32
    %barrier3A_8 = arith.constant 0 : index
    tpu.barrier barrier_id(%barrier3A_8)
    "tpu.region"() ({
      %run_scoped3A = tpu.sem_alloc : memref<!tpu.dma_semaphore, #tpu.memory_space<semaphore_mem>>
      %dma_start3A = arith.constant 0 : i32
      %dma_start3A_9 = tpu.memref_slice %arg6[%arg0, %mul3A_0, %dma_start3A] : memref<2x50048x32xf32, #tpu.memory_space<hbm>> -> memref<1x3128x32xf32, #tpu.memory_space<hbm>>
      %dma_start3A_10 = tpu.memref_squeeze %dma_start3A_9 : memref<1x3128x32xf32, #tpu.memory_space<hbm>> -> memref<3128x32xf32, #tpu.memory_space<hbm>>
      %dma_start3A_11 = arith.constant 0 : i32
      %dma_start3A_12 = tpu.memref_slice %arg11[%mul3A_0, %dma_start3A_11] : memref<50048x32xf32, #tpu.memory_space<vmem_shared>> -> memref<3128x32xf32, #tpu.memory_space<vmem_shared>>
      tpu.enqueue_dma source(%dma_start3A_12 : memref<3128x32xf32, #tpu.memory_space<vmem_shared>>) target(%dma_start3A_10 : memref<3128x32xf32, #tpu.memory_space<hbm>>) target_semaphore(%run_scoped3A : memref<!tpu.dma_semaphore, #tpu.memory_space<semaphore_mem>>)
      %dma_wait3A = arith.constant 0 : i32
      %dma_wait3A_13 = tpu.memref_slice %arg6[%arg0, %mul3A_0, %dma_wait3A] : memref<2x50048x32xf32, #tpu.memory_space<hbm>> -> memref<1x3128x32xf32, #tpu.memory_space<hbm>>
      %dma_wait3A_14 = tpu.memref_squeeze %dma_wait3A_13 : memref<1x3128x32xf32, #tpu.memory_space<hbm>> -> memref<3128x32xf32, #tpu.memory_space<hbm>>
      %dma_wait3A_15 = arith.constant 0 : i32
      %dma_wait3A_16 = tpu.memref_slice %arg11[%mul3A_0, %dma_wait3A_15] : memref<50048x32xf32, #tpu.memory_space<vmem_shared>> -> memref<3128x32xf32, #tpu.memory_space<vmem_shared>>
      tpu.wait_dma2 semaphore(%run_scoped3A : memref<!tpu.dma_semaphore, #tpu.memory_space<semaphore_mem>>) src(%dma_wait3A_16 : memref<3128x32xf32, #tpu.memory_space<vmem_shared>>) dst(%dma_wait3A_14 : memref<3128x32xf32, #tpu.memory_space<hbm>>)
      tpu.yield
    }) : () -> ()
    return
  }
}

#map = affine_map<(d0, d1) -> (0, 0)>
#map1 = affine_map<(d0, d1) -> (0, 0, 0)>
module attributes {stable_mosaic.version = 14 : i64} {
  func.func @_scb_body(%arg0: i32, %arg1: i32, %arg2: memref<100000x32xf32, #tpu.memory_space<hbm>>, %arg3: memref<2x6400x128xi32, #tpu.memory_space<hbm>>, %arg4: memref<6400x128xi32, #tpu.memory_space<hbm>>, %arg5: memref<50048x32xf32, #tpu.memory_space<hbm>>, %arg6: memref<2x50048x32xf32, #tpu.memory_space<hbm>>, %arg7: memref<40x128xi32, #tpu.memory_space<vmem>>, %arg8: memref<40x128xi32, #tpu.memory_space<vmem>>, %arg9: memref<5x128x32xf32, #tpu.memory_space<vmem>>, %arg10: memref<!tpu.dma_semaphore, #tpu.memory_space<semaphore_mem>>, %arg11: memref<50048x32xf32, #tpu.memory_space<vmem_shared>>) attributes {dimension_semantics = [#tpu.dimension_semantics<core_parallel>, #tpu.dimension_semantics<subcore_parallel>], iteration_bounds = array<i64: 2, 16>, scalar_prefetch = 0 : i64, scratch_operands = 5 : i64, tpu.core_type = #tpu.core_type<sc_vector_subcore>, window_params = [{transform_indices = #map}, {transform_indices = #map1}, {transform_indices = #map}, {transform_indices = #map}, {transform_indices = #map1}]} {
    %mul3A = arith.constant 3128 : i32
    %mul3A_0 = arith.muli %arg1, %mul3A : i32
    "tpu.region"() ({
      %run_scoped3A = tpu.sem_alloc : memref<!tpu.dma_semaphore, #tpu.memory_space<semaphore_mem>>
      %dma_start3A = arith.constant 0 : i32
      %dma_start3A_9 = tpu.memref_slice %arg11[%mul3A_0, %dma_start3A] : memref<50048x32xf32, #tpu.memory_space<vmem_shared>> -> memref<3128x32xf32, #tpu.memory_space<vmem_shared>>
      %dma_start3A_10 = arith.constant 0 : i32
      %dma_start3A_11 = tpu.memref_slice %arg5[%mul3A_0, %dma_start3A_10] : memref<50048x32xf32, #tpu.memory_space<hbm>> -> memref<3128x32xf32, #tpu.memory_space<hbm>>
      tpu.enqueue_dma source(%dma_start3A_11 : memref<3128x32xf32, #tpu.memory_space<hbm>>) target(%dma_start3A_9 : memref<3128x32xf32, #tpu.memory_space<vmem_shared>>) target_semaphore(%run_scoped3A : memref<!tpu.dma_semaphore, #tpu.memory_space<semaphore_mem>>)
      %dma_wait3A = arith.constant 0 : i32
      %dma_wait3A_12 = tpu.memref_slice %arg11[%mul3A_0, %dma_wait3A] : memref<50048x32xf32, #tpu.memory_space<vmem_shared>> -> memref<3128x32xf32, #tpu.memory_space<vmem_shared>>
      %dma_wait3A_13 = arith.constant 0 : i32
      %dma_wait3A_14 = tpu.memref_slice %arg5[%mul3A_0, %dma_wait3A_13] : memref<50048x32xf32, #tpu.memory_space<hbm>> -> memref<3128x32xf32, #tpu.memory_space<hbm>>
      tpu.wait_dma2 semaphore(%run_scoped3A : memref<!tpu.dma_semaphore, #tpu.memory_space<semaphore_mem>>) src(%dma_wait3A_14 : memref<3128x32xf32, #tpu.memory_space<hbm>>) dst(%dma_wait3A_12 : memref<3128x32xf32, #tpu.memory_space<vmem_shared>>)
      tpu.yield
    }) : () -> ()
    %barrier3A = arith.constant 0 : index
    tpu.barrier barrier_id(%barrier3A)
    %mul3A_1 = arith.constant 400 : i32
    %mul3A_2 = arith.muli %arg1, %mul3A_1 : i32
    %scan3A = arith.constant 0 : i32
    %scan3A_3 = arith.constant 0 : i32
    %scan3A_4 = arith.constant 10 : i32
    %scan3A_5 = arith.addi %scan3A_3, %scan3A_4 : i32
    %scan3A_6 = arith.constant 1 : i32
    scf.for %scan3A_9 = %scan3A_3 to %scan3A_5 step %scan3A_6  : i32 {
      %mul3A_10 = arith.constant 40 : i32
      %mul3A_11 = arith.muli %scan3A_9, %mul3A_10 : i32
      %add3A = arith.addi %mul3A_2, %mul3A_11 : i32
      "tpu.region"() ({
        %run_scoped3A = tpu.sem_alloc : memref<!tpu.dma_semaphore, #tpu.memory_space<semaphore_mem>>
        %dma_start3A_64 = arith.constant 0 : i32
        %dma_start3A_65 = tpu.memref_slice %arg3[%arg0, %add3A, %dma_start3A_64] : memref<2x6400x128xi32, #tpu.memory_space<hbm>> -> memref<1x40x128xi32, #tpu.memory_space<hbm>>
        %dma_start3A_66 = tpu.memref_squeeze %dma_start3A_65 : memref<1x40x128xi32, #tpu.memory_space<hbm>> -> memref<40x128xi32, #tpu.memory_space<hbm>>
        %dma_start3A_67 = arith.constant 0 : i32
        %dma_start3A_68 = tpu.memref_slice %arg3[%arg0, %add3A, %dma_start3A_67] : memref<2x6400x128xi32, #tpu.memory_space<hbm>> -> memref<1x40x128xi32, #tpu.memory_space<hbm>>
        %dma_start3A_69 = tpu.memref_squeeze %dma_start3A_68 : memref<1x40x128xi32, #tpu.memory_space<hbm>> -> memref<40x128xi32, #tpu.memory_space<hbm>>
        tpu.enqueue_dma source(%dma_start3A_69 : memref<40x128xi32, #tpu.memory_space<hbm>>) target(%arg7 : memref<40x128xi32, #tpu.memory_space<vmem>>) target_semaphore(%run_scoped3A : memref<!tpu.dma_semaphore, #tpu.memory_space<semaphore_mem>>)
        %dma_wait3A = arith.constant 0 : i32
        %dma_wait3A_70 = tpu.memref_slice %arg3[%arg0, %add3A, %dma_wait3A] : memref<2x6400x128xi32, #tpu.memory_space<hbm>> -> memref<1x40x128xi32, #tpu.memory_space<hbm>>
        %dma_wait3A_71 = tpu.memref_squeeze %dma_wait3A_70 : memref<1x40x128xi32, #tpu.memory_space<hbm>> -> memref<40x128xi32, #tpu.memory_space<hbm>>
        %dma_wait3A_72 = arith.constant 0 : i32
        %dma_wait3A_73 = tpu.memref_slice %arg3[%arg0, %add3A, %dma_wait3A_72] : memref<2x6400x128xi32, #tpu.memory_space<hbm>> -> memref<1x40x128xi32, #tpu.memory_space<hbm>>
        %dma_wait3A_74 = tpu.memref_squeeze %dma_wait3A_73 : memref<1x40x128xi32, #tpu.memory_space<hbm>> -> memref<40x128xi32, #tpu.memory_space<hbm>>
        tpu.wait_dma2 semaphore(%run_scoped3A : memref<!tpu.dma_semaphore, #tpu.memory_space<semaphore_mem>>) src(%dma_wait3A_74 : memref<40x128xi32, #tpu.memory_space<hbm>>) dst(%arg7 : memref<40x128xi32, #tpu.memory_space<vmem>>)
        tpu.yield
      }) : () -> ()
      "tpu.region"() ({
        %run_scoped3A = tpu.sem_alloc : memref<!tpu.dma_semaphore, #tpu.memory_space<semaphore_mem>>
        %dma_start3A_64 = arith.constant 0 : i32
        %dma_start3A_65 = tpu.memref_slice %arg4[%add3A, %dma_start3A_64] : memref<6400x128xi32, #tpu.memory_space<hbm>> -> memref<40x128xi32, #tpu.memory_space<hbm>>
        %dma_start3A_66 = arith.constant 0 : i32
        %dma_start3A_67 = tpu.memref_slice %arg4[%add3A, %dma_start3A_66] : memref<6400x128xi32, #tpu.memory_space<hbm>> -> memref<40x128xi32, #tpu.memory_space<hbm>>
        tpu.enqueue_dma source(%dma_start3A_67 : memref<40x128xi32, #tpu.memory_space<hbm>>) target(%arg8 : memref<40x128xi32, #tpu.memory_space<vmem>>) target_semaphore(%run_scoped3A : memref<!tpu.dma_semaphore, #tpu.memory_space<semaphore_mem>>)
        %dma_wait3A = arith.constant 0 : i32
        %dma_wait3A_68 = tpu.memref_slice %arg4[%add3A, %dma_wait3A] : memref<6400x128xi32, #tpu.memory_space<hbm>> -> memref<40x128xi32, #tpu.memory_space<hbm>>
        %dma_wait3A_69 = arith.constant 0 : i32
        %dma_wait3A_70 = tpu.memref_slice %arg4[%add3A, %dma_wait3A_69] : memref<6400x128xi32, #tpu.memory_space<hbm>> -> memref<40x128xi32, #tpu.memory_space<hbm>>
        tpu.wait_dma2 semaphore(%run_scoped3A : memref<!tpu.dma_semaphore, #tpu.memory_space<semaphore_mem>>) src(%dma_wait3A_70 : memref<40x128xi32, #tpu.memory_space<hbm>>) dst(%arg8 : memref<40x128xi32, #tpu.memory_space<vmem>>)
        tpu.yield
      }) : () -> ()
      %dma_start3A = arith.constant 0 : i32
      %dma_start3A_12 = arith.constant 0 : i32
      %dma_start3A_13 = arith.constant 0 : i32
      %dma_start3A_14 = arith.constant 0 : i32
      %dma_start3A_15 = tpu.memref_slice %arg9[%dma_start3A_12, %dma_start3A_13, %dma_start3A_14] : memref<5x128x32xf32, #tpu.memory_space<vmem>> -> memref<1x128x32xf32, #tpu.memory_space<vmem>>
      %dma_start3A_16 = tpu.memref_squeeze %dma_start3A_15 : memref<1x128x32xf32, #tpu.memory_space<vmem>> -> memref<128x32xf32, #tpu.memory_space<vmem>>
      %dma_start3A_17 = arith.constant 0 : i32
      %dma_start3A_18 = tpu.memref_slice %arg7[%dma_start3A, %dma_start3A_17] : memref<40x128xi32, #tpu.memory_space<vmem>> -> memref<1x128xi32, #tpu.memory_space<vmem>>
      %dma_start3A_19 = tpu.memref_squeeze %dma_start3A_18 : memref<1x128xi32, #tpu.memory_space<vmem>> -> memref<128xi32, #tpu.memory_space<vmem>>
      %dma_start3A_20 = arith.constant 0 : i32
      %dma_start3A_21 = arith.constant 0 : i32
      %dma_start3A_22 = tpu.memref_slice %arg2[%dma_start3A_20, %dma_start3A_21] : memref<100000x32xf32, #tpu.memory_space<hbm>> -> memref<100000x32xf32, #tpu.memory_space<hbm>>
      tpu.enqueue_indirect_dma source(%dma_start3A_22 : memref<100000x32xf32, #tpu.memory_space<hbm>>) target(%dma_start3A_16 : memref<128x32xf32, #tpu.memory_space<vmem>>) offsets(%dma_start3A_19 : memref<128xi32, #tpu.memory_space<vmem>>) semaphore(%arg10 : memref<!tpu.dma_semaphore, #tpu.memory_space<semaphore_mem>>)
      %dma_start3A_23 = arith.constant 1 : i32
      %dma_start3A_24 = arith.constant 1 : i32
      %dma_start3A_25 = arith.constant 0 : i32
      %dma_start3A_26 = arith.constant 0 : i32
      %dma_start3A_27 = tpu.memref_slice %arg9[%dma_start3A_24, %dma_start3A_25, %dma_start3A_26] : memref<5x128x32xf32, #tpu.memory_space<vmem>> -> memref<1x128x32xf32, #tpu.memory_space<vmem>>
      %dma_start3A_28 = tpu.memref_squeeze %dma_start3A_27 : memref<1x128x32xf32, #tpu.memory_space<vmem>> -> memref<128x32xf32, #tpu.memory_space<vmem>>
      %dma_start3A_29 = arith.constant 0 : i32
      %dma_start3A_30 = tpu.memref_slice %arg7[%dma_start3A_23, %dma_start3A_29] : memref<40x128xi32, #tpu.memory_space<vmem>> -> memref<1x128xi32, #tpu.memory_space<vmem>>
      %dma_start3A_31 = tpu.memref_squeeze %dma_start3A_30 : memref<1x128xi32, #tpu.memory_space<vmem>> -> memref<128xi32, #tpu.memory_space<vmem>>
      %dma_start3A_32 = arith.constant 0 : i32
      %dma_start3A_33 = arith.constant 0 : i32
      %dma_start3A_34 = tpu.memref_slice %arg2[%dma_start3A_32, %dma_start3A_33] : memref<100000x32xf32, #tpu.memory_space<hbm>> -> memref<100000x32xf32, #tpu.memory_space<hbm>>
      tpu.enqueue_indirect_dma source(%dma_start3A_34 : memref<100000x32xf32, #tpu.memory_space<hbm>>) target(%dma_start3A_28 : memref<128x32xf32, #tpu.memory_space<vmem>>) offsets(%dma_start3A_31 : memref<128xi32, #tpu.memory_space<vmem>>) semaphore(%arg10 : memref<!tpu.dma_semaphore, #tpu.memory_space<semaphore_mem>>)
      %dma_start3A_35 = arith.constant 2 : i32
      %dma_start3A_36 = arith.constant 2 : i32
      %dma_start3A_37 = arith.constant 0 : i32
      %dma_start3A_38 = arith.constant 0 : i32
      %dma_start3A_39 = tpu.memref_slice %arg9[%dma_start3A_36, %dma_start3A_37, %dma_start3A_38] : memref<5x128x32xf32, #tpu.memory_space<vmem>> -> memref<1x128x32xf32, #tpu.memory_space<vmem>>
      %dma_start3A_40 = tpu.memref_squeeze %dma_start3A_39 : memref<1x128x32xf32, #tpu.memory_space<vmem>> -> memref<128x32xf32, #tpu.memory_space<vmem>>
      %dma_start3A_41 = arith.constant 0 : i32
      %dma_start3A_42 = tpu.memref_slice %arg7[%dma_start3A_35, %dma_start3A_41] : memref<40x128xi32, #tpu.memory_space<vmem>> -> memref<1x128xi32, #tpu.memory_space<vmem>>
      %dma_start3A_43 = tpu.memref_squeeze %dma_start3A_42 : memref<1x128xi32, #tpu.memory_space<vmem>> -> memref<128xi32, #tpu.memory_space<vmem>>
      %dma_start3A_44 = arith.constant 0 : i32
      %dma_start3A_45 = arith.constant 0 : i32
      %dma_start3A_46 = tpu.memref_slice %arg2[%dma_start3A_44, %dma_start3A_45] : memref<100000x32xf32, #tpu.memory_space<hbm>> -> memref<100000x32xf32, #tpu.memory_space<hbm>>
      tpu.enqueue_indirect_dma source(%dma_start3A_46 : memref<100000x32xf32, #tpu.memory_space<hbm>>) target(%dma_start3A_40 : memref<128x32xf32, #tpu.memory_space<vmem>>) offsets(%dma_start3A_43 : memref<128xi32, #tpu.memory_space<vmem>>) semaphore(%arg10 : memref<!tpu.dma_semaphore, #tpu.memory_space<semaphore_mem>>)
      %dma_start3A_47 = arith.constant 3 : i32
      %dma_start3A_48 = arith.constant 3 : i32
      %dma_start3A_49 = arith.constant 0 : i32
      %dma_start3A_50 = arith.constant 0 : i32
      %dma_start3A_51 = tpu.memref_slice %arg9[%dma_start3A_48, %dma_start3A_49, %dma_start3A_50] : memref<5x128x32xf32, #tpu.memory_space<vmem>> -> memref<1x128x32xf32, #tpu.memory_space<vmem>>
      %dma_start3A_52 = tpu.memref_squeeze %dma_start3A_51 : memref<1x128x32xf32, #tpu.memory_space<vmem>> -> memref<128x32xf32, #tpu.memory_space<vmem>>
      %dma_start3A_53 = arith.constant 0 : i32
      %dma_start3A_54 = tpu.memref_slice %arg7[%dma_start3A_47, %dma_start3A_53] : memref<40x128xi32, #tpu.memory_space<vmem>> -> memref<1x128xi32, #tpu.memory_space<vmem>>
      %dma_start3A_55 = tpu.memref_squeeze %dma_start3A_54 : memref<1x128xi32, #tpu.memory_space<vmem>> -> memref<128xi32, #tpu.memory_space<vmem>>
      %dma_start3A_56 = arith.constant 0 : i32
      %dma_start3A_57 = arith.constant 0 : i32
      %dma_start3A_58 = tpu.memref_slice %arg2[%dma_start3A_56, %dma_start3A_57] : memref<100000x32xf32, #tpu.memory_space<hbm>> -> memref<100000x32xf32, #tpu.memory_space<hbm>>
      tpu.enqueue_indirect_dma source(%dma_start3A_58 : memref<100000x32xf32, #tpu.memory_space<hbm>>) target(%dma_start3A_52 : memref<128x32xf32, #tpu.memory_space<vmem>>) offsets(%dma_start3A_55 : memref<128xi32, #tpu.memory_space<vmem>>) semaphore(%arg10 : memref<!tpu.dma_semaphore, #tpu.memory_space<semaphore_mem>>)
      %scan3A_59 = arith.constant 0 : i32
      %scan3A_60 = arith.constant 40 : i32
      %scan3A_61 = arith.addi %scan3A_59, %scan3A_60 : i32
      %scan3A_62 = arith.constant 1 : i32
      scf.for %scan3A_64 = %scan3A_59 to %scan3A_61 step %scan3A_62  : i32 {
        %add3A_65 = arith.constant 5 : i32
        %add3A_66 = arith.addi %scan3A_64, %add3A_65 : i32
        %sub3A = arith.constant 1 : i32
        %sub3A_67 = arith.subi %add3A_66, %sub3A : i32
        %lt3A = arith.constant 40 : i32
        %lt3A_68 = arith.cmpi slt, %sub3A_67, %lt3A : i32
        %convert_element_type3A = arith.extui %lt3A_68 : i1 to i32
        %cond3A = arith.constant 0 : i32
        %cond3A_69 = arith.cmpi ne, %convert_element_type3A, %cond3A : i32
        scf.if %cond3A_69 {
          %add3A_105 = arith.constant 5 : i32
          %add3A_106 = arith.addi %scan3A_64, %add3A_105 : i32
          %sub3A_107 = arith.constant 1 : i32
          %sub3A_108 = arith.subi %add3A_106, %sub3A_107 : i32
          %add3A_109 = arith.constant 5 : i32
          %add3A_110 = arith.addi %scan3A_64, %add3A_109 : i32
          %sub3A_111 = arith.constant 1 : i32
          %sub3A_112 = arith.subi %add3A_110, %sub3A_111 : i32
          %jit3A_113 = arith.constant 5 : i32
          %eq3A_114 = arith.constant 0 : i32
          %eq3A_115 = arith.cmpi eq, %jit3A_113, %eq3A_114 : i32
          %jit3A_116 = arith.constant 1 : i32
          %select_n3A_117 = arith.select %eq3A_115, %jit3A_116, %jit3A_113 : i32
          %rem3A_118 = arith.remsi %sub3A_112, %select_n3A_117 : i32
          %ne3A_119 = arith.constant 0 : i32
          %ne3A_120 = arith.cmpi ne, %rem3A_118, %ne3A_119 : i32
          %lt3A_121 = arith.constant 0 : i32
          %lt3A_122 = arith.cmpi slt, %rem3A_118, %lt3A_121 : i32
          %lt3A_123 = arith.constant 0 : i32
          %lt3A_124 = arith.cmpi slt, %select_n3A_117, %lt3A_123 : i32
          %ne3A_125 = arith.xori %lt3A_122, %lt3A_124 : i1
          %and3A_126 = arith.andi %ne3A_125, %ne3A_120 : i1
          %add3A_127 = arith.addi %rem3A_118, %select_n3A_117 : i32
          %select_n3A_128 = arith.select %and3A_126, %add3A_127, %rem3A_118 : i32
          %dma_start3A_129 = arith.constant 0 : i32
          %dma_start3A_130 = arith.constant 0 : i32
          %dma_start3A_131 = tpu.memref_slice %arg9[%select_n3A_128, %dma_start3A_129, %dma_start3A_130] : memref<5x128x32xf32, #tpu.memory_space<vmem>> -> memref<1x128x32xf32, #tpu.memory_space<vmem>>
          %dma_start3A_132 = tpu.memref_squeeze %dma_start3A_131 : memref<1x128x32xf32, #tpu.memory_space<vmem>> -> memref<128x32xf32, #tpu.memory_space<vmem>>
          %dma_start3A_133 = arith.constant 0 : i32
          %dma_start3A_134 = tpu.memref_slice %arg7[%sub3A_108, %dma_start3A_133] : memref<40x128xi32, #tpu.memory_space<vmem>> -> memref<1x128xi32, #tpu.memory_space<vmem>>
          %dma_start3A_135 = tpu.memref_squeeze %dma_start3A_134 : memref<1x128xi32, #tpu.memory_space<vmem>> -> memref<128xi32, #tpu.memory_space<vmem>>
          %dma_start3A_136 = arith.constant 0 : i32
          %dma_start3A_137 = arith.constant 0 : i32
          %dma_start3A_138 = tpu.memref_slice %arg2[%dma_start3A_136, %dma_start3A_137] : memref<100000x32xf32, #tpu.memory_space<hbm>> -> memref<100000x32xf32, #tpu.memory_space<hbm>>
          tpu.enqueue_indirect_dma source(%dma_start3A_138 : memref<100000x32xf32, #tpu.memory_space<hbm>>) target(%dma_start3A_132 : memref<128x32xf32, #tpu.memory_space<vmem>>) offsets(%dma_start3A_135 : memref<128xi32, #tpu.memory_space<vmem>>) semaphore(%arg10 : memref<!tpu.dma_semaphore, #tpu.memory_space<semaphore_mem>>)
        } else {
        }
        %jit3A = arith.constant 5 : i32
        %eq3A = arith.constant 0 : i32
        %eq3A_70 = arith.cmpi eq, %jit3A, %eq3A : i32
        %jit3A_71 = arith.constant 1 : i32
        %select_n3A = arith.select %eq3A_70, %jit3A_71, %jit3A : i32
        %rem3A = arith.remsi %scan3A_64, %select_n3A : i32
        %ne3A = arith.constant 0 : i32
        %ne3A_72 = arith.cmpi ne, %rem3A, %ne3A : i32
        %lt3A_73 = arith.constant 0 : i32
        %lt3A_74 = arith.cmpi slt, %rem3A, %lt3A_73 : i32
        %lt3A_75 = arith.constant 0 : i32
        %lt3A_76 = arith.cmpi slt, %select_n3A, %lt3A_75 : i32
        %ne3A_77 = arith.xori %lt3A_74, %lt3A_76 : i1
        %and3A = arith.andi %ne3A_77, %ne3A_72 : i1
        %add3A_78 = arith.addi %rem3A, %select_n3A : i32
        %select_n3A_79 = arith.select %and3A, %add3A_78, %rem3A : i32
        %dma_wait3A = arith.constant 0 : i32
        %dma_wait3A_80 = arith.constant 0 : i32
        %dma_wait3A_81 = tpu.memref_slice %arg9[%select_n3A_79, %dma_wait3A, %dma_wait3A_80] : memref<5x128x32xf32, #tpu.memory_space<vmem>> -> memref<1x128x32xf32, #tpu.memory_space<vmem>>
        %dma_wait3A_82 = tpu.memref_squeeze %dma_wait3A_81 : memref<1x128x32xf32, #tpu.memory_space<vmem>> -> memref<128x32xf32, #tpu.memory_space<vmem>>
        %dma_wait3A_83 = arith.constant 0 : i32
        %dma_wait3A_84 = tpu.memref_slice %arg7[%scan3A_64, %dma_wait3A_83] : memref<40x128xi32, #tpu.memory_space<vmem>> -> memref<1x128xi32, #tpu.memory_space<vmem>>
        %dma_wait3A_85 = tpu.memref_squeeze %dma_wait3A_84 : memref<1x128xi32, #tpu.memory_space<vmem>> -> memref<128xi32, #tpu.memory_space<vmem>>
        %dma_wait3A_86 = arith.constant 0 : i32
        %dma_wait3A_87 = arith.constant 0 : i32
        %dma_wait3A_88 = tpu.memref_slice %arg2[%dma_wait3A_86, %dma_wait3A_87] : memref<100000x32xf32, #tpu.memory_space<hbm>> -> memref<100000x32xf32, #tpu.memory_space<hbm>>
        tpu.wait_indirect_dma semaphore(%arg10 : memref<!tpu.dma_semaphore, #tpu.memory_space<semaphore_mem>>) src(%dma_wait3A_88 : memref<100000x32xf32, #tpu.memory_space<hbm>>) dst(%dma_wait3A_82 : memref<128x32xf32, #tpu.memory_space<vmem>>)
        %jit3A_89 = arith.constant 5 : i32
        %eq3A_90 = arith.constant 0 : i32
        %eq3A_91 = arith.cmpi eq, %jit3A_89, %eq3A_90 : i32
        %jit3A_92 = arith.constant 1 : i32
        %select_n3A_93 = arith.select %eq3A_91, %jit3A_92, %jit3A_89 : i32
        %rem3A_94 = arith.remsi %scan3A_64, %select_n3A_93 : i32
        %ne3A_95 = arith.constant 0 : i32
        %ne3A_96 = arith.cmpi ne, %rem3A_94, %ne3A_95 : i32
        %lt3A_97 = arith.constant 0 : i32
        %lt3A_98 = arith.cmpi slt, %rem3A_94, %lt3A_97 : i32
        %lt3A_99 = arith.constant 0 : i32
        %lt3A_100 = arith.cmpi slt, %select_n3A_93, %lt3A_99 : i32
        %ne3A_101 = arith.xori %lt3A_98, %lt3A_100 : i1
        %and3A_102 = arith.andi %ne3A_101, %ne3A_96 : i1
        %add3A_103 = arith.addi %rem3A_94, %select_n3A_93 : i32
        %select_n3A_104 = arith.select %and3A_102, %add3A_103, %rem3A_94 : i32
        "tpu.region"() ({
          %run_scoped3A = tpu.sem_alloc : memref<!tpu.dma_semaphore, #tpu.memory_space<semaphore_mem>>
          %dma_start3A_105 = arith.constant 0 : i32
          %dma_start3A_106 = arith.constant 0 : i32
          %dma_start3A_107 = tpu.memref_slice %arg9[%select_n3A_104, %dma_start3A_105, %dma_start3A_106] : memref<5x128x32xf32, #tpu.memory_space<vmem>> -> memref<1x128x32xf32, #tpu.memory_space<vmem>>
          %dma_start3A_108 = tpu.memref_squeeze %dma_start3A_107 : memref<1x128x32xf32, #tpu.memory_space<vmem>> -> memref<128x32xf32, #tpu.memory_space<vmem>>
          %dma_start3A_109 = arith.constant 0 : i32
          %dma_start3A_110 = tpu.memref_slice %arg8[%scan3A_64, %dma_start3A_109] : memref<40x128xi32, #tpu.memory_space<vmem>> -> memref<1x128xi32, #tpu.memory_space<vmem>>
          %dma_start3A_111 = tpu.memref_squeeze %dma_start3A_110 : memref<1x128xi32, #tpu.memory_space<vmem>> -> memref<128xi32, #tpu.memory_space<vmem>>
          %dma_start3A_112 = arith.constant 0 : i32
          %dma_start3A_113 = arith.constant 0 : i32
          %dma_start3A_114 = tpu.memref_slice %arg11[%dma_start3A_112, %dma_start3A_113] : memref<50048x32xf32, #tpu.memory_space<vmem_shared>> -> memref<50048x32xf32, #tpu.memory_space<vmem_shared>>
          tpu.enqueue_indirect_dma source(%dma_start3A_108 : memref<128x32xf32, #tpu.memory_space<vmem>>) target(%dma_start3A_114 : memref<50048x32xf32, #tpu.memory_space<vmem_shared>>) offsets(%dma_start3A_111 : memref<128xi32, #tpu.memory_space<vmem>>) semaphore(%run_scoped3A : memref<!tpu.dma_semaphore, #tpu.memory_space<semaphore_mem>>) {add = true}
          %dma_wait3A_115 = arith.constant 0 : i32
          %dma_wait3A_116 = arith.constant 0 : i32
          %dma_wait3A_117 = tpu.memref_slice %arg9[%select_n3A_104, %dma_wait3A_115, %dma_wait3A_116] : memref<5x128x32xf32, #tpu.memory_space<vmem>> -> memref<1x128x32xf32, #tpu.memory_space<vmem>>
          %dma_wait3A_118 = tpu.memref_squeeze %dma_wait3A_117 : memref<1x128x32xf32, #tpu.memory_space<vmem>> -> memref<128x32xf32, #tpu.memory_space<vmem>>
          %dma_wait3A_119 = arith.constant 0 : i32
          %dma_wait3A_120 = tpu.memref_slice %arg8[%scan3A_64, %dma_wait3A_119] : memref<40x128xi32, #tpu.memory_space<vmem>> -> memref<1x128xi32, #tpu.memory_space<vmem>>
          %dma_wait3A_121 = tpu.memref_squeeze %dma_wait3A_120 : memref<1x128xi32, #tpu.memory_space<vmem>> -> memref<128xi32, #tpu.memory_space<vmem>>
          %dma_wait3A_122 = arith.constant 0 : i32
          %dma_wait3A_123 = arith.constant 0 : i32
          %dma_wait3A_124 = tpu.memref_slice %arg11[%dma_wait3A_122, %dma_wait3A_123] : memref<50048x32xf32, #tpu.memory_space<vmem_shared>> -> memref<50048x32xf32, #tpu.memory_space<vmem_shared>>
          tpu.wait_indirect_dma semaphore(%run_scoped3A : memref<!tpu.dma_semaphore, #tpu.memory_space<semaphore_mem>>) src(%dma_wait3A_118 : memref<128x32xf32, #tpu.memory_space<vmem>>) dst(%dma_wait3A_124 : memref<50048x32xf32, #tpu.memory_space<vmem_shared>>)
          tpu.yield
        }) : () -> ()
      }
      %scan3A_63 = arith.constant 40 : i32
    }
    %scan3A_7 = arith.constant 10 : i32
    %barrier3A_8 = arith.constant 0 : index
    tpu.barrier barrier_id(%barrier3A_8)
    "tpu.region"() ({
      %run_scoped3A = tpu.sem_alloc : memref<!tpu.dma_semaphore, #tpu.memory_space<semaphore_mem>>
      %dma_start3A = arith.constant 0 : i32
      %dma_start3A_9 = tpu.memref_slice %arg6[%arg0, %mul3A_0, %dma_start3A] : memref<2x50048x32xf32, #tpu.memory_space<hbm>> -> memref<1x3128x32xf32, #tpu.memory_space<hbm>>
      %dma_start3A_10 = tpu.memref_squeeze %dma_start3A_9 : memref<1x3128x32xf32, #tpu.memory_space<hbm>> -> memref<3128x32xf32, #tpu.memory_space<hbm>>
      %dma_start3A_11 = arith.constant 0 : i32
      %dma_start3A_12 = tpu.memref_slice %arg11[%mul3A_0, %dma_start3A_11] : memref<50048x32xf32, #tpu.memory_space<vmem_shared>> -> memref<3128x32xf32, #tpu.memory_space<vmem_shared>>
      tpu.enqueue_dma source(%dma_start3A_12 : memref<3128x32xf32, #tpu.memory_space<vmem_shared>>) target(%dma_start3A_10 : memref<3128x32xf32, #tpu.memory_space<hbm>>) target_semaphore(%run_scoped3A : memref<!tpu.dma_semaphore, #tpu.memory_space<semaphore_mem>>)
      %dma_wait3A = arith.constant 0 : i32
      %dma_wait3A_13 = tpu.memref_slice %arg6[%arg0, %mul3A_0, %dma_wait3A] : memref<2x50048x32xf32, #tpu.memory_space<hbm>> -> memref<1x3128x32xf32, #tpu.memory_space<hbm>>
      %dma_wait3A_14 = tpu.memref_squeeze %dma_wait3A_13 : memref<1x3128x32xf32, #tpu.memory_space<hbm>> -> memref<3128x32xf32, #tpu.memory_space<hbm>>
      %dma_wait3A_15 = arith.constant 0 : i32
      %dma_wait3A_16 = tpu.memref_slice %arg11[%mul3A_0, %dma_wait3A_15] : memref<50048x32xf32, #tpu.memory_space<vmem_shared>> -> memref<3128x32xf32, #tpu.memory_space<vmem_shared>>
      tpu.wait_dma2 semaphore(%run_scoped3A : memref<!tpu.dma_semaphore, #tpu.memory_space<semaphore_mem>>) src(%dma_wait3A_16 : memref<3128x32xf32, #tpu.memory_space<vmem_shared>>) dst(%dma_wait3A_14 : memref<3128x32xf32, #tpu.memory_space<hbm>>)
      tpu.yield
    }) : () -> ()
    return
  }
}

module attributes {stable_mosaic.version = 14 : i64} {
  func.func @_tc1_body(%arg0: i32, %arg1: memref<1000x64xf32, #tpu.memory_space<vmem>>, %arg2: memref<64x64xf32, #tpu.memory_space<vmem>>, %arg3: memref<2x1000x16xf32, #tpu.memory_space<vmem>>, %arg4: memref<2x1000x32xf32, #tpu.memory_space<vmem>>, %arg5: memref<1000x1xf32, #tpu.memory_space<vmem>>) attributes {dimension_semantics = [#tpu.dimension_semantics<arbitrary>], iteration_bounds = array<i64: 50>, scalar_prefetch = 0 : i64, scratch_operands = 0 : i64, tpu.core_type = #tpu.core_type<tc>, window_params = [{transform_indices = @transform_0, window_bounds = array<i64: 1000, 64>}, {pipeline_mode = #tpu.pipeline_mode<synchronous>, transform_indices = @transform_1, window_bounds = array<i64: 64, 64>}, {transform_indices = @transform_2, window_bounds = array<i64: 2, 1000, 16>}, {transform_indices = @transform_3, window_bounds = array<i64: 2, 1000, 32>}, {transform_indices = @transform_4, window_bounds = array<i64: 1000, 1>}]} {
    %get3A = arith.constant 0 : index
    %get3A_0 = arith.constant 0 : index
    %get3A_1 = arith.constant 0 : index
    %get3A_2 = vector.load %arg3[%get3A, %get3A_0, %get3A_1] : memref<2x1000x16xf32, #tpu.memory_space<vmem>>, vector<2x1000x16xf32>
    %slice3A = vector.extract_strided_slice %get3A_2 {offsets = [0, 0, 0], sizes = [1, 1000, 1], strides = [1, 1, 1]} : vector<2x1000x16xf32> to vector<1x1000x1xf32>
    %squeeze3A = vector.shape_cast %slice3A : vector<1x1000x1xf32> to vector<1000xf32>
    %slice3A_3 = vector.extract_strided_slice %get3A_2 {offsets = [1, 0, 0], sizes = [1, 1000, 1], strides = [1, 1, 1]} : vector<2x1000x16xf32> to vector<1x1000x1xf32>
    %squeeze3A_4 = vector.shape_cast %slice3A_3 : vector<1x1000x1xf32> to vector<1000xf32>
    %add3A = arith.addf %squeeze3A, %squeeze3A_4 : vector<1000xf32>
    %add3A_5 = arith.constant 2.000000e+00 : f32
    %add3A_6 = vector.broadcast %add3A_5 : f32 to vector<1000xf32>
    %add3A_7 = arith.addf %add3A, %add3A_6 : vector<1000xf32>
    %rsqrt3A = math.rsqrt %add3A_7 : vector<1000xf32>
    %get3A_8 = arith.constant 0 : index
    %get3A_9 = arith.constant 0 : index
    %get3A_10 = vector.load %arg1[%get3A_8, %get3A_9] : memref<1000x64xf32, #tpu.memory_space<vmem>>, vector<1000x64xf32>
    %get3A_11 = arith.constant 0 : index
    %get3A_12 = arith.constant 0 : index
    %get3A_13 = vector.load %arg2[%get3A_11, %get3A_12] : memref<64x64xf32, #tpu.memory_space<vmem>>, vector<64x64xf32>
    %dot_general3A = arith.constant dense<0.000000e+00> : vector<1000x64xf32>
    %dot_general3A_14 = tpu.matmul %get3A_10, %get3A_13, %dot_general3A {dimension_numbers = #tpu.dot_dimension_numbers<[1], [0], [0], [1], [0, 0, 1, 1], [], []>, transpose_lhs_hint = false} : vector<1000x64xf32>, vector<64x64xf32>, vector<1000x64xf32> -> vector<1000x64xf32>
    %broadcast_in_dim3A = vector.shape_cast %rsqrt3A : vector<1000xf32> to vector<1000x1xf32>
    %mul3A = vector.broadcast %broadcast_in_dim3A : vector<1000x1xf32> to vector<1000x64xf32>
    %mul3A_15 = arith.mulf %dot_general3A_14, %mul3A : vector<1000x64xf32>
    %slice3A_16 = vector.extract_strided_slice %mul3A_15 {offsets = [0, 0], sizes = [1000, 32], strides = [1, 1]} : vector<1000x64xf32> to vector<1000x32xf32>
    %swap3A = arith.constant 0 : index
    %swap3A_17 = arith.constant 0 : index
    %swap3A_18 = arith.constant 0 : index
    %swap3A_19 = vector.load %arg4[%swap3A, %swap3A_17, %swap3A_18] : memref<2x1000x32xf32, #tpu.memory_space<vmem>>, vector<1x1000x32xf32>
    %swap3A_20 = vector.shape_cast %swap3A_19 : vector<1x1000x32xf32> to vector<1000x32xf32>
    %swap3A_21 = vector.shape_cast %slice3A_16 : vector<1000x32xf32> to vector<1x1000x32xf32>
    tpu.vector_store %arg4[%swap3A, %swap3A_17, %swap3A_18], %swap3A_21 {strides = array<i32>} : memref<2x1000x32xf32, #tpu.memory_space<vmem>>, vector<1x1000x32xf32>,
    %slice3A_22 = vector.extract_strided_slice %mul3A_15 {offsets = [0, 32], sizes = [1000, 32], strides = [1, 1]} : vector<1000x64xf32> to vector<1000x32xf32>
    %swap3A_23 = arith.constant 1 : index
    %swap3A_24 = arith.constant 0 : index
    %swap3A_25 = arith.constant 0 : index
    %swap3A_26 = vector.load %arg4[%swap3A_23, %swap3A_24, %swap3A_25] : memref<2x1000x32xf32, #tpu.memory_space<vmem>>, vector<1x1000x32xf32>
    %swap3A_27 = vector.shape_cast %swap3A_26 : vector<1x1000x32xf32> to vector<1000x32xf32>
    %swap3A_28 = vector.shape_cast %slice3A_22 : vector<1000x32xf32> to vector<1x1000x32xf32>
    tpu.vector_store %arg4[%swap3A_23, %swap3A_24, %swap3A_25], %swap3A_28 {strides = array<i32>} : memref<2x1000x32xf32, #tpu.memory_space<vmem>>, vector<1x1000x32xf32>,
    %broadcast_in_dim3A_29 = vector.shape_cast %rsqrt3A : vector<1000xf32> to vector<1000x1xf32>
    %swap3A_30 = arith.constant 0 : index
    %swap3A_31 = arith.constant 0 : index
    %swap3A_32 = vector.load %arg5[%swap3A_30, %swap3A_31] : memref<1000x1xf32, #tpu.memory_space<vmem>>, vector<1000x1xf32>
    tpu.vector_store %arg5[%swap3A_30, %swap3A_31], %broadcast_in_dim3A_29 {strides = array<i32>} : memref<1000x1xf32, #tpu.memory_space<vmem>>, vector<1000x1xf32>,
    return
  }
  func.func @transform_0(%arg0: i32) -> (i32, i32) {
    %c0_i32 = arith.constant 0 : i32
    %c0_i32_0 = arith.constant 0 : i32
    return %arg0, %c0_i32 : i32, i32
  }
  func.func @transform_1(%arg0: i32) -> (i32, i32) {
    %c0_i32 = arith.constant 0 : i32
    %c0_i32_0 = arith.constant 0 : i32
    %c0_i32_1 = arith.constant 0 : i32
    return %c0_i32, %c0_i32_0 : i32, i32
  }
  func.func @transform_2(%arg0: i32) -> (i32, i32, i32) {
    %c0_i32 = arith.constant 0 : i32
    %c0_i32_0 = arith.constant 0 : i32
    %c0_i32_1 = arith.constant 0 : i32
    return %c0_i32, %arg0, %c0_i32_0 : i32, i32, i32
  }
  func.func @transform_3(%arg0: i32) -> (i32, i32, i32) {
    %c0_i32 = arith.constant 0 : i32
    %c0_i32_0 = arith.constant 0 : i32
    %c0_i32_1 = arith.constant 0 : i32
    return %c0_i32, %arg0, %c0_i32_0 : i32, i32, i32
  }
  func.func @transform_4(%arg0: i32) -> (i32, i32) {
    %c0_i32 = arith.constant 0 : i32
    %c0_i32_0 = arith.constant 0 : i32
    return %arg0, %c0_i32 : i32, i32
  }
}

module attributes {stable_mosaic.version = 14 : i64} {
  func.func @_tcmid_body(%arg0: i32, %arg1: memref<2x1000x32xf32, #tpu.memory_space<vmem>>, %arg2: memref<2x1000x32xf32, #tpu.memory_space<vmem>>, %arg3: memref<1000x1xf32, #tpu.memory_space<vmem>>, %arg4: memref<1x64xf32, #tpu.memory_space<vmem>>, %arg5: memref<64x64xf32, #tpu.memory_space<vmem>>, %arg6: memref<2x1000x32xf32, #tpu.memory_space<vmem>>) attributes {dimension_semantics = [#tpu.dimension_semantics<arbitrary>], iteration_bounds = array<i64: 50>, scalar_prefetch = 0 : i64, scratch_operands = 0 : i64, tpu.core_type = #tpu.core_type<tc>, window_params = [{transform_indices = @transform_0, window_bounds = array<i64: 2, 1000, 32>}, {transform_indices = @transform_1, window_bounds = array<i64: 2, 1000, 32>}, {transform_indices = @transform_2, window_bounds = array<i64: 1000, 1>}, {pipeline_mode = #tpu.pipeline_mode<synchronous>, transform_indices = @transform_3, window_bounds = array<i64: 1, 64>}, {pipeline_mode = #tpu.pipeline_mode<synchronous>, transform_indices = @transform_4, window_bounds = array<i64: 64, 64>}, {transform_indices = @transform_5, window_bounds = array<i64: 2, 1000, 32>}]} {
    %get3A = arith.constant 0 : index
    %get3A_0 = arith.constant 0 : index
    %get3A_1 = arith.constant 0 : index
    %get3A_2 = vector.load %arg1[%get3A, %get3A_0, %get3A_1] : memref<2x1000x32xf32, #tpu.memory_space<vmem>>, vector<2x1000x32xf32>
    %get3A_3 = arith.constant 0 : index
    %get3A_4 = arith.constant 0 : index
    %get3A_5 = arith.constant 0 : index
    %get3A_6 = vector.load %arg2[%get3A_3, %get3A_4, %get3A_5] : memref<2x1000x32xf32, #tpu.memory_space<vmem>>, vector<2x1000x32xf32>
    %slice3A = vector.extract_strided_slice %get3A_2 {offsets = [0, 0, 0], sizes = [1, 1000, 32], strides = [1, 1, 1]} : vector<2x1000x32xf32> to vector<1x1000x32xf32>
    %squeeze3A = vector.shape_cast %slice3A : vector<1x1000x32xf32> to vector<1000x32xf32>
    %slice3A_7 = vector.extract_strided_slice %get3A_2 {offsets = [1, 0, 0], sizes = [1, 1000, 32], strides = [1, 1, 1]} : vector<2x1000x32xf32> to vector<1x1000x32xf32>
    %squeeze3A_8 = vector.shape_cast %slice3A_7 : vector<1x1000x32xf32> to vector<1000x32xf32>
    %concatenate3A = tpu.concatenate %squeeze3A, %squeeze3A_8 in 1 : vector<1000x32xf32>, vector<1000x32xf32> -> vector<1000x64xf32>
    %slice3A_9 = vector.extract_strided_slice %get3A_6 {offsets = [0, 0, 0], sizes = [1, 1000, 32], strides = [1, 1, 1]} : vector<2x1000x32xf32> to vector<1x1000x32xf32>
    %squeeze3A_10 = vector.shape_cast %slice3A_9 : vector<1x1000x32xf32> to vector<1000x32xf32>
    %slice3A_11 = vector.extract_strided_slice %get3A_6 {offsets = [1, 0, 0], sizes = [1, 1000, 32], strides = [1, 1, 1]} : vector<2x1000x32xf32> to vector<1x1000x32xf32>
    %squeeze3A_12 = vector.shape_cast %slice3A_11 : vector<1x1000x32xf32> to vector<1000x32xf32>
    %concatenate3A_13 = tpu.concatenate %squeeze3A_10, %squeeze3A_12 in 1 : vector<1000x32xf32>, vector<1000x32xf32> -> vector<1000x64xf32>
    %get3A_14 = arith.constant 0 : index
    %get3A_15 = arith.constant 0 : index
    %get3A_16 = vector.load %arg3[%get3A_14, %get3A_15] : memref<1000x1xf32, #tpu.memory_space<vmem>>, vector<1000x1xf32>
    %mul3A = arith.constant 2.000000e+00 : f32
    %mul3A_17 = vector.broadcast %mul3A : f32 to vector<1000x64xf32>
    %mul3A_18 = arith.mulf %mul3A_17, %concatenate3A_13 : vector<1000x64xf32>
    %add3A = arith.addf %concatenate3A, %mul3A_18 : vector<1000x64xf32>
    %mul3A_19 = vector.broadcast %get3A_16 : vector<1000x1xf32> to vector<1000x64xf32>
    %mul3A_20 = arith.mulf %mul3A_19, %add3A : vector<1000x64xf32>
    %get3A_21 = arith.constant 0 : index
    %get3A_22 = arith.constant 0 : index
    %get3A_23 = vector.load %arg4[%get3A_21, %get3A_22] : memref<1x64xf32, #tpu.memory_space<vmem>>, vector<1x64xf32>
    %add3A_24 = vector.broadcast %get3A_23 : vector<1x64xf32> to vector<1000x64xf32>
    %add3A_25 = arith.addf %mul3A_20, %add3A_24 : vector<1000x64xf32>
    %max3A = arith.constant 0.000000e+00 : f32
    %max3A_26 = vector.broadcast %max3A : f32 to vector<1000x64xf32>
    %max3A_27 = arith.maximumf %add3A_25, %max3A_26 : vector<1000x64xf32>
    %get3A_28 = arith.constant 0 : index
    %get3A_29 = arith.constant 0 : index
    %get3A_30 = vector.load %arg5[%get3A_28, %get3A_29] : memref<64x64xf32, #tpu.memory_space<vmem>>, vector<64x64xf32>
    %dot_general3A = arith.constant dense<0.000000e+00> : vector<1000x64xf32>
    %dot_general3A_31 = tpu.matmul %max3A_27, %get3A_30, %dot_general3A {dimension_numbers = #tpu.dot_dimension_numbers<[1], [0], [0], [1], [0, 0, 1, 1], [], []>, transpose_lhs_hint = false} : vector<1000x64xf32>, vector<64x64xf32>, vector<1000x64xf32> -> vector<1000x64xf32>
    %mul3A_32 = vector.broadcast %get3A_16 : vector<1000x1xf32> to vector<1000x64xf32>
    %mul3A_33 = arith.mulf %dot_general3A_31, %mul3A_32 : vector<1000x64xf32>
    %slice3A_34 = vector.extract_strided_slice %mul3A_33 {offsets = [0, 0], sizes = [1000, 32], strides = [1, 1]} : vector<1000x64xf32> to vector<1000x32xf32>
    %swap3A = arith.constant 0 : index
    %swap3A_35 = arith.constant 0 : index
    %swap3A_36 = arith.constant 0 : index
    %swap3A_37 = vector.load %arg6[%swap3A, %swap3A_35, %swap3A_36] : memref<2x1000x32xf32, #tpu.memory_space<vmem>>, vector<1x1000x32xf32>
    %swap3A_38 = vector.shape_cast %swap3A_37 : vector<1x1000x32xf32> to vector<1000x32xf32>
    %swap3A_39 = vector.shape_cast %slice3A_34 : vector<1000x32xf32> to vector<1x1000x32xf32>
    tpu.vector_store %arg6[%swap3A, %swap3A_35, %swap3A_36], %swap3A_39 {strides = array<i32>} : memref<2x1000x32xf32, #tpu.memory_space<vmem>>, vector<1x1000x32xf32>,
    %slice3A_40 = vector.extract_strided_slice %mul3A_33 {offsets = [0, 32], sizes = [1000, 32], strides = [1, 1]} : vector<1000x64xf32> to vector<1000x32xf32>
    %swap3A_41 = arith.constant 1 : index
    %swap3A_42 = arith.constant 0 : index
    %swap3A_43 = arith.constant 0 : index
    %swap3A_44 = vector.load %arg6[%swap3A_41, %swap3A_42, %swap3A_43] : memref<2x1000x32xf32, #tpu.memory_space<vmem>>, vector<1x1000x32xf32>
    %swap3A_45 = vector.shape_cast %swap3A_44 : vector<1x1000x32xf32> to vector<1000x32xf32>
    %swap3A_46 = vector.shape_cast %slice3A_40 : vector<1000x32xf32> to vector<1x1000x32xf32>
    tpu.vector_store %arg6[%swap3A_41, %swap3A_42, %swap3A_43], %swap3A_46 {strides = array<i32>} : memref<2x1000x32xf32, #tpu.memory_space<vmem>>, vector<1x1000x32xf32>,
    return
  }
  func.func @transform_0(%arg0: i32) -> (i32, i32, i32) {
    %c0_i32 = arith.constant 0 : i32
    %c0_i32_0 = arith.constant 0 : i32
    %c0_i32_1 = arith.constant 0 : i32
    return %c0_i32, %arg0, %c0_i32_0 : i32, i32, i32
  }
  func.func @transform_1(%arg0: i32) -> (i32, i32, i32) {
    %c0_i32 = arith.constant 0 : i32
    %c0_i32_0 = arith.constant 0 : i32
    %c0_i32_1 = arith.constant 0 : i32
    return %c0_i32, %arg0, %c0_i32_0 : i32, i32, i32
  }
  func.func @transform_2(%arg0: i32) -> (i32, i32) {
    %c0_i32 = arith.constant 0 : i32
    %c0_i32_0 = arith.constant 0 : i32
    return %arg0, %c0_i32 : i32, i32
  }
  func.func @transform_3(%arg0: i32) -> (i32, i32) {
    %c0_i32 = arith.constant 0 : i32
    %c0_i32_0 = arith.constant 0 : i32
    %c0_i32_1 = arith.constant 0 : i32
    return %c0_i32, %c0_i32_0 : i32, i32
  }
  func.func @transform_4(%arg0: i32) -> (i32, i32) {
    %c0_i32 = arith.constant 0 : i32
    %c0_i32_0 = arith.constant 0 : i32
    %c0_i32_1 = arith.constant 0 : i32
    return %c0_i32, %c0_i32_0 : i32, i32
  }
  func.func @transform_5(%arg0: i32) -> (i32, i32, i32) {
    %c0_i32 = arith.constant 0 : i32
    %c0_i32_0 = arith.constant 0 : i32
    %c0_i32_1 = arith.constant 0 : i32
    return %c0_i32, %arg0, %c0_i32_0 : i32, i32, i32
  }
}

module attributes {stable_mosaic.version = 14 : i64} {
  func.func @_tc4_body(%arg0: i32, %arg1: memref<2x1000x32xf32, #tpu.memory_space<vmem>>, %arg2: memref<2x1000x32xf32, #tpu.memory_space<vmem>>, %arg3: memref<1000x1xf32, #tpu.memory_space<vmem>>, %arg4: memref<1x64xf32, #tpu.memory_space<vmem>>, %arg5: memref<1000x1xi32, #tpu.memory_space<vmem>>, %arg6: memref<64x1xf32, #tpu.memory_space<vmem>>, %arg7: memref<1x1xf32, #tpu.memory_space<vmem>>, %arg8: memref<128x1xf32, #tpu.memory_space<vmem>>, %arg9: memref<128x64xf32, #tpu.memory_space<vmem>>) attributes {dimension_semantics = [#tpu.dimension_semantics<arbitrary>], iteration_bounds = array<i64: 50>, scalar_prefetch = 0 : i64, scratch_operands = 1 : i64, tpu.core_type = #tpu.core_type<tc>, window_params = [{transform_indices = @transform_0, window_bounds = array<i64: 2, 1000, 32>}, {transform_indices = @transform_1, window_bounds = array<i64: 2, 1000, 32>}, {transform_indices = @transform_2, window_bounds = array<i64: 1000, 1>}, {pipeline_mode = #tpu.pipeline_mode<synchronous>, transform_indices = @transform_3, window_bounds = array<i64: 1, 64>}, {transform_indices = @transform_4, window_bounds = array<i64: 1000, 1>}, {pipeline_mode = #tpu.pipeline_mode<synchronous>, transform_indices = @transform_5, window_bounds = array<i64: 64, 1>}, {pipeline_mode = #tpu.pipeline_mode<synchronous>, transform_indices = @transform_6, window_bounds = array<i64: 1, 1>}, {pipeline_mode = #tpu.pipeline_mode<synchronous>, transform_indices = @transform_7, window_bounds = array<i64: 128, 1>}]} {
    %eq3A = arith.constant 0 : i32
    %eq3A_0 = arith.cmpi eq, %arg0, %eq3A : i32
    %convert_element_type3A = arith.extui %eq3A_0 : i1 to i32
    %cond3A = arith.constant 0 : i32
    %cond3A_1 = arith.cmpi ne, %convert_element_type3A, %cond3A : i32
    scf.if %cond3A_1 {
      %broadcast_in_dim3A = arith.constant 0.000000e+00 : f32
      %broadcast_in_dim3A_49 = vector.broadcast %broadcast_in_dim3A : f32 to vector<128x64xf32>
      %swap3A_50 = arith.constant 0 : index
      %swap3A_51 = arith.constant 0 : index
      %swap3A_52 = vector.load %arg9[%swap3A_50, %swap3A_51] : memref<128x64xf32, #tpu.memory_space<vmem>>, vector<128x64xf32>
      tpu.vector_store %arg9[%swap3A_50, %swap3A_51], %broadcast_in_dim3A_49 {strides = array<i32>} : memref<128x64xf32, #tpu.memory_space<vmem>>, vector<128x64xf32>,
    } else {
    }
    %get3A = arith.constant 0 : index
    %get3A_2 = arith.constant 0 : index
    %get3A_3 = arith.constant 0 : index
    %get3A_4 = vector.load %arg1[%get3A, %get3A_2, %get3A_3] : memref<2x1000x32xf32, #tpu.memory_space<vmem>>, vector<2x1000x32xf32>
    %get3A_5 = arith.constant 0 : index
    %get3A_6 = arith.constant 0 : index
    %get3A_7 = arith.constant 0 : index
    %get3A_8 = vector.load %arg2[%get3A_5, %get3A_6, %get3A_7] : memref<2x1000x32xf32, #tpu.memory_space<vmem>>, vector<2x1000x32xf32>
    %slice3A = vector.extract_strided_slice %get3A_4 {offsets = [0, 0, 0], sizes = [1, 1000, 32], strides = [1, 1, 1]} : vector<2x1000x32xf32> to vector<1x1000x32xf32>
    %squeeze3A = vector.shape_cast %slice3A : vector<1x1000x32xf32> to vector<1000x32xf32>
    %slice3A_9 = vector.extract_strided_slice %get3A_4 {offsets = [1, 0, 0], sizes = [1, 1000, 32], strides = [1, 1, 1]} : vector<2x1000x32xf32> to vector<1x1000x32xf32>
    %squeeze3A_10 = vector.shape_cast %slice3A_9 : vector<1x1000x32xf32> to vector<1000x32xf32>
    %concatenate3A = tpu.concatenate %squeeze3A, %squeeze3A_10 in 1 : vector<1000x32xf32>, vector<1000x32xf32> -> vector<1000x64xf32>
    %slice3A_11 = vector.extract_strided_slice %get3A_8 {offsets = [0, 0, 0], sizes = [1, 1000, 32], strides = [1, 1, 1]} : vector<2x1000x32xf32> to vector<1x1000x32xf32>
    %squeeze3A_12 = vector.shape_cast %slice3A_11 : vector<1x1000x32xf32> to vector<1000x32xf32>
    %slice3A_13 = vector.extract_strided_slice %get3A_8 {offsets = [1, 0, 0], sizes = [1, 1000, 32], strides = [1, 1, 1]} : vector<2x1000x32xf32> to vector<1x1000x32xf32>
    %squeeze3A_14 = vector.shape_cast %slice3A_13 : vector<1x1000x32xf32> to vector<1000x32xf32>
    %concatenate3A_15 = tpu.concatenate %squeeze3A_12, %squeeze3A_14 in 1 : vector<1000x32xf32>, vector<1000x32xf32> -> vector<1000x64xf32>
    %get3A_16 = arith.constant 0 : index
    %get3A_17 = arith.constant 0 : index
    %get3A_18 = vector.load %arg3[%get3A_16, %get3A_17] : memref<1000x1xf32, #tpu.memory_space<vmem>>, vector<1000x1xf32>
    %mul3A = arith.constant 2.000000e+00 : f32
    %mul3A_19 = vector.broadcast %mul3A : f32 to vector<1000x64xf32>
    %mul3A_20 = arith.mulf %mul3A_19, %concatenate3A_15 : vector<1000x64xf32>
    %add3A = arith.addf %concatenate3A, %mul3A_20 : vector<1000x64xf32>
    %mul3A_21 = vector.broadcast %get3A_18 : vector<1000x1xf32> to vector<1000x64xf32>
    %mul3A_22 = arith.mulf %mul3A_21, %add3A : vector<1000x64xf32>
    %get3A_23 = arith.constant 0 : index
    %get3A_24 = arith.constant 0 : index
    %get3A_25 = vector.load %arg4[%get3A_23, %get3A_24] : memref<1x64xf32, #tpu.memory_space<vmem>>, vector<1x64xf32>
    %add3A_26 = vector.broadcast %get3A_25 : vector<1x64xf32> to vector<1000x64xf32>
    %add3A_27 = arith.addf %mul3A_22, %add3A_26 : vector<1000x64xf32>
    %max3A = arith.constant 0.000000e+00 : f32
    %max3A_28 = vector.broadcast %max3A : f32 to vector<1000x64xf32>
    %max3A_29 = arith.maximumf %add3A_27, %max3A_28 : vector<1000x64xf32>
    %get3A_30 = arith.constant 0 : index
    %get3A_31 = arith.constant 0 : index
    %get3A_32 = vector.load %arg5[%get3A_30, %get3A_31] : memref<1000x1xi32, #tpu.memory_space<vmem>>, vector<1000x1xi32>
    %iota3A = tpu.iota {dimensions = array<i32: 1>} : vector<1000x128xi32>
    %eq3A_33 = vector.broadcast %get3A_32 : vector<1000x1xi32> to vector<1000x128xi32>
    %eq3A_34 = arith.cmpi eq, %eq3A_33, %iota3A : vector<1000x128xi32>
    %get3A_35 = arith.constant 0 : index
    %get3A_36 = arith.constant 0 : index
    %get3A_37 = vector.load %arg9[%get3A_35, %get3A_36] : memref<128x64xf32, #tpu.memory_space<vmem>>, vector<128x64xf32>
    %convert_element_type3A_38 = arith.extui %eq3A_34 : vector<1000x128xi1> to vector<1000x128xi32>
    %convert_element_type3A_39 = arith.sitofp %convert_element_type3A_38 : vector<1000x128xi32> to vector<1000x128xf32>
    %dot_general3A = arith.constant dense<0.000000e+00> : vector<128x64xf32>
    %dot_general3A_40 = tpu.matmul %convert_element_type3A_39, %max3A_29, %dot_general3A {dimension_numbers = #tpu.dot_dimension_numbers<[0], [0], [1], [1], [0, 1, 1, 1], [], []>, transpose_lhs_hint = false} : vector<1000x128xf32>, vector<1000x64xf32>, vector<128x64xf32> -> vector<128x64xf32>
    %add3A_41 = arith.addf %get3A_37, %dot_general3A_40 : vector<128x64xf32>
    %swap3A = arith.constant 0 : index
    %swap3A_42 = arith.constant 0 : index
    %swap3A_43 = vector.load %arg9[%swap3A, %swap3A_42] : memref<128x64xf32, #tpu.memory_space<vmem>>, vector<128x64xf32>
    tpu.vector_store %arg9[%swap3A, %swap3A_42], %add3A_41 {strides = array<i32>} : memref<128x64xf32, #tpu.memory_space<vmem>>, vector<128x64xf32>,
    %eq3A_44 = arith.constant 49 : i32
    %eq3A_45 = arith.cmpi eq, %arg0, %eq3A_44 : i32
    %convert_element_type3A_46 = arith.extui %eq3A_45 : i1 to i32
    %cond3A_47 = arith.constant 0 : i32
    %cond3A_48 = arith.cmpi ne, %convert_element_type3A_46, %cond3A_47 : i32
    scf.if %cond3A_48 {
      %get3A_49 = arith.constant 0 : index
      %get3A_50 = arith.constant 0 : index
      %get3A_51 = vector.load %arg9[%get3A_49, %get3A_50] : memref<128x64xf32, #tpu.memory_space<vmem>>, vector<128x64xf32>
      %get3A_52 = arith.constant 0 : index
      %get3A_53 = arith.constant 0 : index
      %get3A_54 = vector.load %arg6[%get3A_52, %get3A_53] : memref<64x1xf32, #tpu.memory_space<vmem>>, vector<64x1xf32>
      %dot_general3A_55 = arith.constant dense<0.000000e+00> : vector<128x1xf32>
      %dot_general3A_56 = tpu.matmul %get3A_51, %get3A_54, %dot_general3A_55 {dimension_numbers = #tpu.dot_dimension_numbers<[1], [0], [0], [1], [0, 0, 1, 1], [], []>, transpose_lhs_hint = false} : vector<128x64xf32>, vector<64x1xf32>, vector<128x1xf32> -> vector<128x1xf32>
      %get3A_57 = arith.constant 0 : index
      %get3A_58 = arith.constant 0 : index
      %get3A_59 = vector.load %arg7[%get3A_57, %get3A_58] : memref<1x1xf32, #tpu.memory_space<vmem>>, vector<1x1xf32>
      %add3A_60 = vector.broadcast %get3A_59 : vector<1x1xf32> to vector<128x1xf32>
      %add3A_61 = arith.addf %dot_general3A_56, %add3A_60 : vector<128x1xf32>
      %swap3A_62 = arith.constant 0 : index
      %swap3A_63 = arith.constant 0 : index
      %swap3A_64 = vector.load %arg8[%swap3A_62, %swap3A_63] : memref<128x1xf32, #tpu.memory_space<vmem>>, vector<128x1xf32>
      tpu.vector_store %arg8[%swap3A_62, %swap3A_63], %add3A_61 {strides = array<i32>} : memref<128x1xf32, #tpu.memory_space<vmem>>, vector<128x1xf32>,
    } else {
    }
    return
  }
  func.func @transform_0(%arg0: i32) -> (i32, i32, i32) {
    %c0_i32 = arith.constant 0 : i32
    %c0_i32_0 = arith.constant 0 : i32
    %c0_i32_1 = arith.constant 0 : i32
    return %c0_i32, %arg0, %c0_i32_0 : i32, i32, i32
  }
  func.func @transform_1(%arg0: i32) -> (i32, i32, i32) {
    %c0_i32 = arith.constant 0 : i32
    %c0_i32_0 = arith.constant 0 : i32
    %c0_i32_1 = arith.constant 0 : i32
    return %c0_i32, %arg0, %c0_i32_0 : i32, i32, i32
  }
  func.func @transform_2(%arg0: i32) -> (i32, i32) {
    %c0_i32 = arith.constant 0 : i32
    %c0_i32_0 = arith.constant 0 : i32
    return %arg0, %c0_i32 : i32, i32
  }
  func.func @transform_3(%arg0: i32) -> (i32, i32) {
    %c0_i32 = arith.constant 0 : i32
    %c0_i32_0 = arith.constant 0 : i32
    %c0_i32_1 = arith.constant 0 : i32
    return %c0_i32, %c0_i32_0 : i32, i32
  }
  func.func @transform_4(%arg0: i32) -> (i32, i32) {
    %c0_i32 = arith.constant 0 : i32
    %c0_i32_0 = arith.constant 0 : i32
    return %arg0, %c0_i32 : i32, i32
  }
  func.func @transform_5(%arg0: i32) -> (i32, i32) {
    %c0_i32 = arith.constant 0 : i32
    %c0_i32_0 = arith.constant 0 : i32
    %c0_i32_1 = arith.constant 0 : i32
    return %c0_i32, %c0_i32_0 : i32, i32
  }
  func.func @transform_6(%arg0: i32) -> (i32, i32) {
    %c0_i32 = arith.constant 0 : i32
    %c0_i32_0 = arith.constant 0 : i32
    %c0_i32_1 = arith.constant 0 : i32
    return %c0_i32, %c0_i32_0 : i32, i32
  }
  func.func @transform_7(%arg0: i32) -> (i32, i32) {
    %c0_i32 = arith.constant 0 : i32
    %c0_i32_0 = arith.constant 0 : i32
    %c0_i32_1 = arith.constant 0 : i32
    return %c0_i32, %c0_i32_0 : i32, i32
  }
}

</mosaic_0001>

<sc_bundles>
// kernel: kernel.10.cloned.1.call-start
scs
__scs_entry_jumppad:
0x0: {  	(pc) =	sbr.rel $0x88, $3  }
0x1: {  	(tag) =	ssettag $0x0;
	lr =	simm.s32 $0x1  }
0x2: {  	[smem:$0x3F98] =	sst lr;
	_ =	strace $0xD0000000  }
0x3: {  	_ = 	snop  }
0x4: {  	_ = 	snop  }
0x5: {  	_ = 	snop  }
0x6: {  	_ = 	snop  }
0x7: {  	_ = 	snop  }
__scs_overlays_trampoline_lowered:
0x8: {  	[smem:$0x3FA7] =	sst s0  }
0x9: {  	[smem:$0x3FA8] =	sst s1  }
0xa: {  	[smem:$0x3FA9] =	sst s2  }
0xb: {  	[smem:$0x3FAA] =	sst s3  }
0xc: {  	[smem:$0x3FAB] =	sst s4  }
0xd: {  	[smem:$0x3FAC] =	sst s5  }
0xe: {  	[smem:$0x3FAD] =	sst s6  }
0xf: {  	[smem:$0x3FAE] =	sst s7  }
0x10: {  	[smem:$0x3FAF] =	sst s8  }
0x11: {  	[smem:$0x3FB0] =	sst s9;
	s0 =	simm.s32 @!p0 $0x0  }
0x12: {  	s1 =	sld [smem:$0x3F96];
	s0 =	simm.s32 @p0 $0x1  }
0x13: {  	[smem:$0x3FB1] =	sst s0;
	s0 =	simm.s32 @!p1 $0x0  }
0x14: {  	s2 =	sld [smem:$0x3F95];
	s0 =	simm.s32 @p1 $0x1  }
0x15: {  	[smem:$0x3FB2] =	sst s0;
	s0 =	simm.s32 @!p2 $0x0  }
0x16: {  	s3 =	sld [smem:$0x3FDB];
	s0 =	simm.s32 @p2 $0x1  }
0x17: {  	s4 =	simm.s32 $0x1BF5;
	[smem:$0x3FB4] =	sst s0  }
0x18: {  	s0 =	sld [smem:$0x3F97];
	_ =	swait.ge [sflag:s4], $0x0  }
0x19: {  	s7 =	sld [smem:$0x3F98]  }
0x1a: {  	s8 =	sadd.s32 $0xFFFFE003, lr  }
0x1b: {  	s9 =	sadd.s32 $0xFFFFFEF7, lr;
	s5 =	simm.s32 $0xFFFFFFFF;
	p2 =	slt.u32 s8, $0xFFFFF086  }
0x1c: {  	p1 =	slt.u32 s9, $0xF7A;
	s5 =	simm.s32 @!p2 $0x0  }
0x1d: {  	s5 =	simm.s32 @p1 $0x1;
	p0 =	seq.s32 s7, s2  }
0x1e: {  	s7 =	smul.u32 @!p0 $0xF7A, s2;
	p2 =	seq.s32 @!p0 s5, $0x0  }
0x1f: {  	s9 =	smul.u32 $0xF7A, s1;
	s8 =	simm.s32 @!p0 $0x1BF5;
	p2 =	por !p2, p0  }
0x20: {  	[sflag:s8] =	ssyncset.s32 @!p0 $0xFFFFF086;
	s6 =	sadd.s32 @!p0 s3, s7;
	s7 =	simm.s32 @!p0 $0x108  }
0x21: {  	s3 =	sadd.s32 s3, s9;
	s6 =	sadd.s32 @!p0 $0x88, s6;
	s7 =	simm.s32 @p2 $0x1082  }
0x22: {  	[simem:s7], [sflag:s8] =	dma.local @!p0 [hbm:s6], $0xF7A  }
0x23: {  	s9 =	sor.u32 $0xD0000000, s2;
	s6 =	simm.s32 $0x108;
	_ =	swait.ge @!p0 [sflag:s8], $0x0  }
0x24: {  	s3 =	sadd.s32 $0x88, s3;
	s6 =	simm.s32 @!p1 $0x1082;
	[sflag:s4] =	ssyncset.s32 $0xFFFFF086  }
0x25: {  	[simem:s6], [sflag:s4] =	dma.local [hbm:s3], $0xF7A  }
0x26: {  	[smem:$0x3F98] =	sst s1;
	(tag) =	ssettag s2;
	_ =	strace s9  }
0x27: {  	s1 =	sld [smem:$0x3FA8]  }
0x28: {  	s2 =	sld [smem:$0x3FA9]  }
0x29: {  	s4 =	sld [smem:$0x3FAB]  }
0x2a: {  	p0 =	seq.s32 s5, $0x0;
	s5 =	sld [smem:$0x3FAC]  }
0x2b: {  	s6 =	sld [smem:$0x3FAD]  }
0x2c: {  	s7 =	sld [smem:$0x3FAE]  }
0x2d: {  	s3 =	simm.s32 $0x108;
	s8 =	sld [smem:$0x3FAF]  }
0x2e: {  	s3 =	simm.s32 @!p0 $0x1082;
	s9 =	sld [smem:$0x3FB0]  }
0x2f: {  	lr =	sadd.s32 s0, s3;
	s0 =	sld [smem:$0x3FA7]  }
0x30: {  	s3 =	sld [smem:$0x3FAA]  }
0x31: {  	[smem:$0x3FB3] =	sst s10  }
0x32: {  	s10 =	sld [smem:$0x3FB1];
	_ =	sdelay $0x3  }
0x33: {  	p0 =	seq.s32 s10, $0x1;
	s10 =	sld [smem:$0x3FB3];
	_ =	sdelay $0x3  }
0x34: {  	[smem:$0x3FB3] =	sst s10  }
0x35: {  	s10 =	sld [smem:$0x3FB2];
	_ =	sdelay $0x3  }
0x36: {  	p1 =	seq.s32 s10, $0x1;
	s10 =	sld [smem:$0x3FB3];
	_ =	sdelay $0x3  }
0x37: {  	[smem:$0x3FB3] =	sst s10  }
0x38: {  	s10 =	sld [smem:$0x3FB4]  }
0x39: {  	_ = 	snop;
	(pc) =	sbr.ind lr, $3  }
0x3a: {  	_ = 	snop  }
0x3b: {  	_ = 	snop  }
0x3c: {  	p2 =	seq.s32 s10, $0x1;
	s10 =	sld [smem:$0x3FB3]  }
0x3d: {  	_ =	shalt  }
0x3e: {  	_ =	shalt  }
0x3f: {  	_ =	shalt  }
0x40: {  	_ =	shalt  }
0x41: {  	_ =	shalt  }
0x42: {  	_ =	shalt  }
0x43: {  	_ =	shalt  }
0x44: {  	_ =	shalt  }
0x45: {  	_ =	shalt  }
0x46: {  	_ =	shalt  }
0x47: {  	_ =	shalt  }
0x48: {  	_ =	shalt  }
0x49: {  	_ =	shalt  }
0x4a: {  	_ =	shalt  }
0x4b: {  	_ =	shalt  }
0x4c: {  	_ =	shalt  }
0x4d: {  	_ =	shalt  }
0x4e: {  	_ =	shalt  }
0x4f: {  	_ =	shalt  }
0x50: {  	_ =	shalt  }
0x51: {  	_ =	shalt  }
0x52: {  	_ =	shalt  }
0x53: {  	_ =	shalt  }
0x54: {  	_ =	shalt  }
0x55: {  	_ =	shalt  }
0x56: {  	_ =	shalt  }
0x57: {  	_ =	shalt  }
0x58: {  	_ =	shalt  }
0x59: {  	_ =	shalt  }
0x5a: {  	_ =	shalt  }
0x5b: {  	_ =	shalt  }
0x5c: {  	_ =	shalt  }
0x5d: {  	_ =	shalt  }
0x5e: {  	_ =	shalt  }
0x5f: {  	_ =	shalt  }
0x60: {  	_ =	shalt  }
0x61: {  	_ =	shalt  }
0x62: {  	_ =	shalt  }
0x63: {  	_ =	shalt  }
0x64: {  	_ =	shalt  }
0x65: {  	_ =	shalt  }
0x66: {  	_ =	shalt  }
0x67: {  	_ =	shalt  }
0x68: {  	_ =	shalt  }
0x69: {  	_ =	shalt  }
0x6a: {  	_ =	shalt  }
0x6b: {  	_ =	shalt  }
0x6c: {  	_ =	shalt  }
0x6d: {  	_ =	shalt  }
0x6e: {  	_ =	shalt  }
0x6f: {  	_ =	shalt  }
0x70: {  	_ =	shalt  }
0x71: {  	_ =	shalt  }
0x72: {  	_ =	shalt  }
0x73: {  	_ =	shalt  }
0x74: {  	_ =	shalt  }
0x75: {  	_ =	shalt  }
0x76: {  	_ =	shalt  }
0x77: {  	_ =	shalt  }
0x78: {  	_ =	shalt  }
0x79: {  	_ =	shalt  }
0x7a: {  	_ =	shalt  }
0x7b: {  	_ =	shalt  }
0x7c: {  	_ =	shalt  }
0x7d: {  	_ =	shalt  }
0x7e: {  	_ =	shalt  }
0x7f: {  	_ =	shalt  }
0x80: {  	_ =	shalt  }
0x81: {  	_ =	shalt  }
0x82: {  	_ =	shalt  }
0x83: {  	_ =	shalt  }
0x84: {  	_ =	shalt  }
0x85: {  	_ =	shalt  }
0x86: {  	_ =	shalt  }
0x87: {  	_ =	shalt  }
.Lfunc_end0:
.L_simem_size_0:
called_computation_lowered:
.L_overlay_start_0:
0x88: {  	s2 =	sld [smem:$0x3FD9]  }
0x89: {  	s3 =	sld [smem:$0x3FFE];
	_ =	sdelay $0x1  }
0x8a: {  	s1 =	srdreg.scid  }
0x8b: {  	s0 =	sand.u32 $0x1, s1  }
0x8c: {  	s16 =	sshll.u32 s0, $0xA;
	s2 =	sadd.s32 s3, s2  }
0x8d: {  	s2 =	sadd.s32 s2, s16  }
0x8e: {  	[smem:$0x3FBF] =	sst s2  }
0x8f: {  	_ = 	snop  }
0x90: {  	(tm) =	ssettm $0x1  }
0x91: {  	s17 =	sld [smem:$0x3FFB];
	_ =	sdelay $0x3  }
0x92: {  	_ =	strace s17  }
0x93: {  	s2 =	sld [smem:$0x3FFC];
	_ =	sdelay $0x3  }
0x94: {  	_ =	strace s2  }
0x95: {  	s2 =	sld [smem:$0x3FFD];
	_ =	sdelay $0x3  }
0x96: {  	_ =	strace s2  }
0x97: {  	_ =	strace $0x8FFFFFFF  }
0x98: {  	s18 =	sld [smem:$0x3FDB];
	_ =	sdelay $0x1  }
0x99: {  	s19 =	simm.s32 $_scs_section_size  }
0x9a: {  	s4 =	simm.s32 $_size__tile_overlayer_lowered;
	s5 =	simm.s32 $_tile_overlayer_lowered  }
0x9b: {  	s22 =	simm.s32 $0x1BFF;
	s21 =	sshll.u32 s5, $0x1;
	s2 =	sadd.s32 s19, s18  }
0x9c: {  	s6 =	simm.s32 $0x0;
	s20 =	sshll.u32 s4, $0x1;
	s4 =	sadd.s32 s21, s2  }
0x9d: {  	[timem:s6], [sflag:s22] =	dma.local [hbm:s4], s20  }
0x9e: {  	_ =	swait.ge [sflag:s22], s20  }
0x9f: {  	s3 =	ssub.s32 $0x0, s20;
	[sflag:s22] =	ssyncset.done $0x0  }
0xa0: {  	[sflag:s22] =	ssyncadd.s32 s3;
	_ =	sdelay $0x1  }
0xa1: {  	s23 =	simm.s32 $0x1B8B  }
0xa2: {  	_ =	swait.ge [sflag:s23], $0x1  }
0xa3: {  	[sflag:s23] =	ssyncset.done $0x0  }
0xa4: {  	s25 =	simm.s32 $0x1B8E;
	s24 =	sld [smem:$0x3FFE];
	[sflag:s23] =	ssyncadd.s32 $0xFFFFFFFF  }
0xa5: {  	s26 =	simm.s32 $execute0_lowered;
	[smem:$0x3FD2] =	sst s25  }
0xa6: {  	s4 =	sshll.u32 s26, $0x1;
	_ =	strace $0x80000046;
	[dreg:$0x1] =	wrdreg $0xFFFFFFFF  }
0xa7: {  	s28 =	simm.s32 $_size_execute0_lowered;
	s2 =	sadd.s32 s2, s4;
	[dreg:$0x0] =	wrdreg $0x0  }
0xa8: {  	s4 =	sshll.u32 s28, $0x1;
	[dreg:$0x2] =	wrdreg s2  }
0xa9: {  	[dreg:$0x3] =	wrdreg s4  }
0xaa: {  	[dreg:$0x4] =	wrdreg $0xC0  }
0xab: {  	_ =	task [dreg:s6], $0x5FFFF  }
0xac: {  	[dreg:$0x1] =	wrdreg $0xFFFFFFFF  }
0xad: {  	[dreg:$0x0] =	wrdreg $0x60  }
0xae: {  	[dreg:$0x2] =	wrdreg s24  }
0xaf: {  	[dreg:$0x3] =	wrdreg $0x1C000  }
0xb0: {  	[dreg:$0x4] =	wrdreg $0x9  }
0xb1: {  	_ =	task.clear_ibuf [dreg:s6], $0x5FFFF;
	_ =	strace $0x90000046  }
0xb2: {  	s29 =	simm.s32 $0x9;
	_ =	strace $0x80000048  }
0xb3: {  	_ =	swait.ge [sflag:s29], $0x1  }
0xb4: {  	[sflag:s29] =	ssyncadd.s32 $0xFFFFFFFF  }
0xb5: {  	_ =	strace $0x90000048  }
0xb6: {  	_ =	sfence  }
0xb7: {  	s30 =	sld [smem:$0x0];
	_ =	sdelay $0x2  }
0xb8: {  	s31 =	sshll.u32 s1, $0xD;
	s1 =	sshrl.u32 s1, $0x2  }
0xb9: {  	s3 =	sand.u32 $0x4000, s31;
	s1 =	sadd.s32 s1, s30  }
0xba: {  	s0 =	sor.u32 s3, s0;
	s1 =	sshll.u32 s1, $0x11  }
0xbb: {  	s0 =	sor.u32 s1, s0  }
0xbc: {  	s0 =	sadd.s32 $0x8F2B, s0  }
0xbd: {  	[sflag:s0] =	ssyncadd.remote.s32 $0x1  }
0xbe: {  	_ =	sfence.sel $0xFFFF  }
0xbf: {  	[dreg:$0x0] =	wrdreg $0xFFFFFFFF;
	(pc) =	sbr.abs _section_cstart, $3  }
0xc0: {  	[dreg:$0x1] =	wrdreg $0xFFFFFFFF  }
0xc1: {  	_ =	task.clear_ibuf [dreg:s6], $0x2FFFF;
	_ =	strace $0x9FFFFFFF  }
0xc2: {  	(tm) =	ssettm $0x7FFFFFFF  }
0xc3: {  	_ =	shalt  }
tec
execute0_lowered:
.L_overlay_start_1:
0x0: {  	(tag) =	ssettag $0x1  }
0x1: {  	s5 =	rddreg [dreg:$0x0]  }
0x2: {  	s0 =	srdreg.scid;
	s2 =	rddreg [dreg:$0x1]  }
0x3: {  	s1 =	rddreg [dreg:$0x2];
	s6 =	sand.u32 $0x1, s0  }
0x4: {  	s3 =	simm.s32 $0x0;
	s0 =	stileid.u32;
	s4 =	smul.u32 $0xC80, s6  }
0x5: {  	s15 =	simm.s32 $0x1;
	s16 =	simm.s32 $0x1400;
	s7 =	smul.u32 $0xC8, s0  }
0x6: {  	s17 =	simm.s32 $0x80;
	s18 =	simm.s32 $0x0;
	s30 =	smul.u32 $0xC380, s0  }
0x7: {  	[smem:$0x7FF] =	sst s3;
	s8 =	smul.u32 $0xC3800, s6;
	s6 =	ssub.s32 $0x2, s6  }
0x8: {  	_ =	strace $0x80000047;
	s31 =	sshll.u32 s0, $0x6;
	s10 =	sshrl.u32 s6, $0x1  }
0x9: {  	s4 =	sadd.s32 s7, s4;
	s9 =	sshrl.u32 s30, $0x3;
	s8 =	sadd.s32 s30, s8  }
0xa: {  	s10 =	ssub.s32 s6, s10;
	s14 =	sadd.s32 s30, s2;
	s6 =	sor.u32 $0x1C01, s31  }
0xb: {  	s4 =	sshll.u32 s4, $0x4;
	s9 =	sadd.s32 s9, s5;
	s8 =	sshrl.u32 s8, $0x3  }
0xc: {  	s14 =	sshrl.u32 s14, $0x3;
	s13 =	sadd.s32 s4, s5;
	s8 =	sadd.s32 s8, s5  }
0xd: {  	s4 =	sadd.s32 $0x34000, s5;
	s5 =	sadd.s32 $0x1B800, s9;
	s7 =	sadd.s32 $0x34200, s8  }
0xe: {  	s8 =	smax.u32 s10, $0x1;
	s9 =	sadd.s32 $0x2800, s13;
	s10 =	sadd.s32 $0x2A80, s13  }
0xf: {  	s11 =	sadd.s32 $0x2D00, s13;
	s12 =	sadd.s32 $0x2F80, s13;
	s13 =	sadd.s32 $0x3200, s13  }
.LBB2_1:
0x10: {  	[spmem:s14], [sflag:s6] =	dma.local [hbm:s5], $0x1870  }
0x11: {  	_ =	swait.ge [sflag:s15], $0x1870  }
0x12: {  	[sflag:s15] =	ssyncset.done $0x0  }
0x13: {  	[sflag:s15] =	ssyncadd.s32 $0xFFFFE790  }
0x14: {  	[tilespmem:s16], [sflag:$0x1] =	stream.linear.gather [hbm4b:s4+s3], $0x800, $0x38;
	[tilespmem:$0xDF80] =	vst v63  }
0x15: {  	_ =	swait.ge [sflag:s15], $0x800  }
0x16: {  	[sflag:s15] =	ssyncset.done $0x0  }
0x17: {  	[sflag:s15] =	ssyncadd.s32 $0xFFFFF800  }
0x18: {  	[bflag:$0x0] =	sbarrier.arrive $0xFFFF  }
0x19: {  	[tilespmem:s3], [sflag:$0x1] =	stream.linear.gather [hbm4b:s9+s3], $0x1400, $0x38;
	[tilespmem:$0xDF80] =	vst v63  }
0x1a: {  	_ =	swait.ge [sflag:s15], $0x1400  }
0x1b: {  	[sflag:s15] =	ssyncset.done $0x0  }
0x1c: {  	s19 =	simm.s32 $0x0;
	[sflag:s15] =	ssyncadd.s32 $0xFFFFEC00  }
0x1d: {  	[spmem:s2] =	stream.indirect.scatter.add.f32 [tilespmem:s16], [sflag:$0x1], $0x10, s19, s17, $0xb8;
	[tilespmem:$0xDF80] =	vst v63  }
0x1e: {  	_ =	swait.ge [sflag:s15], $0x800  }
0x1f: {  	s19 =	simm.s32 $0x200;
	[sflag:s15] =	ssyncset.done $0x0  }
.LBB2_2:
0x20: {  	s20 =	sshra.s32 s19, $0x2;
	[sflag:s15] =	ssyncadd.s32 $0xFFFFF800;
	p0 =	sne.s32 s19, $0x4E00  }
0x21: {  	[spmem:s2] =	stream.indirect.scatter.add.f32 [tilespmem:s16], [sflag:$0x1], $0x10, s20, s17, $0xb8;
	[tilespmem:$0xDF80] =	vst v63  }
.Ltmp0:
0x22: {  	_ = 	snop;
	(pc) =	sbr.rel @p0 .LBB2_2-.Ltmp0, $4  }
0x23: {  	_ = 	snop  }
0x24: {  	s19 =	sadd.s32 $0x200, s19  }
0x25: {  	_ =	swait.ge [sflag:s15], $0x800  }
0x26: {  	[sflag:s15] =	ssyncset.done $0x0  }
0x27: {  	[sflag:s15] =	ssyncadd.s32 $0xFFFFF800;
	s19 =	simm.s32 $0x0  }
0x28: {  	[tilespmem:s19], [sflag:$0x1] =	stream.linear.gather [hbm4b:s10+s19], $0x1400, $0x38;
	[tilespmem:$0xDF80] =	vst v63  }
0x29: {  	_ =	swait.ge [sflag:s15], $0x1400  }
0x2a: {  	[sflag:s15] =	ssyncset.done $0x0  }
0x2b: {  	s31 =	simm.s32 $0x0;
	[sflag:s15] =	ssyncadd.s32 $0xFFFFEC00  }
0x2c: {  	[spmem:s2] =	stream.indirect.scatter.add.f32 [tilespmem:s16], [sflag:$0x1], $0x10, s31, s17, $0xb8;
	[tilespmem:$0xDF80] =	vst v63  }
0x2d: {  	_ =	swait.ge [sflag:s15], $0x800  }
0x2e: {  	s19 =	simm.s32 $0x200;
	[sflag:s15] =	ssyncset.done $0x0  }
.LBB2_4:
0x2f: {  	s20 =	sshra.s32 s19, $0x2;
	[sflag:s15] =	ssyncadd.s32 $0xFFFFF800;
	p0 =	sne.s32 s19, $0x4E00  }
0x30: {  	[spmem:s2] =	stream.indirect.scatter.add.f32 [tilespmem:s16], [sflag:$0x1], $0x10, s20, s17, $0xb8;
	[tilespmem:$0xDF80] =	vst v63  }
.Ltmp1:
0x31: {  	_ = 	snop;
	(pc) =	sbr.rel @p0 .LBB2_4-.Ltmp1, $4  }
0x32: {  	_ = 	snop  }
0x33: {  	s19 =	sadd.s32 $0x200, s19  }
0x34: {  	_ =	swait.ge [sflag:s15], $0x800  }
0x35: {  	[sflag:s15] =	ssyncset.done $0x0  }
0x36: {  	[sflag:s15] =	ssyncadd.s32 $0xFFFFF800;
	s19 =	simm.s32 $0x0  }
0x37: {  	[tilespmem:s19], [sflag:$0x1] =	stream.linear.gather [hbm4b:s11+s19], $0x1400, $0x38;
	[tilespmem:$0xDF80] =	vst v63  }
0x38: {  	_ =	swait.ge [sflag:s15], $0x1400  }
0x39: {  	[sflag:s15] =	ssyncset.done $0x0  }
0x3a: {  	s31 =	simm.s32 $0x0;
	[sflag:s15] =	ssyncadd.s32 $0xFFFFEC00  }
0x3b: {  	[spmem:s2] =	stream.indirect.scatter.add.f32 [tilespmem:s16], [sflag:$0x1], $0x10, s31, s17, $0xb8;
	[tilespmem:$0xDF80] =	vst v63  }
0x3c: {  	_ =	swait.ge [sflag:s15], $0x800  }
0x3d: {  	s19 =	simm.s32 $0x200;
	[sflag:s15] =	ssyncset.done $0x0  }
.LBB2_6:
0x3e: {  	s20 =	sshra.s32 s19, $0x2;
	[sflag:s15] =	ssyncadd.s32 $0xFFFFF800;
	p0 =	sne.s32 s19, $0x4E00  }
0x3f: {  	[spmem:s2] =	stream.indirect.scatter.add.f32 [tilespmem:s16], [sflag:$0x1], $0x10, s20, s17, $0xb8;
	[tilespmem:$0xDF80] =	vst v63  }
.Ltmp2:
0x40: {  	_ = 	snop;
	(pc) =	sbr.rel @p0 .LBB2_6-.Ltmp2, $4  }
0x41: {  	_ = 	snop  }
0x42: {  	s19 =	sadd.s32 $0x200, s19  }
0x43: {  	_ =	swait.ge [sflag:s15], $0x800  }
0x44: {  	[sflag:s15] =	ssyncset.done $0x0  }
0x45: {  	[sflag:s15] =	ssyncadd.s32 $0xFFFFF800;
	s19 =	simm.s32 $0x0  }
0x46: {  	[tilespmem:s19], [sflag:$0x1] =	stream.linear.gather [hbm4b:s12+s19], $0x1400, $0x38;
	[tilespmem:$0xDF80] =	vst v63  }
0x47: {  	_ =	swait.ge [sflag:s15], $0x1400  }
0x48: {  	[sflag:s15] =	ssyncset.done $0x0  }
0x49: {  	s31 =	simm.s32 $0x0;
	[sflag:s15] =	ssyncadd.s32 $0xFFFFEC00  }
0x4a: {  	[spmem:s2] =	stream.indirect.scatter.add.f32 [tilespmem:s16], [sflag:$0x1], $0x10, s31, s17, $0xb8;
	[tilespmem:$0xDF80] =	vst v63  }
0x4b: {  	_ =	swait.ge [sflag:s15], $0x800  }
0x4c: {  	s19 =	simm.s32 $0x200;
	[sflag:s15] =	ssyncset.done $0x0  }
.LBB2_8:
0x4d: {  	s20 =	sshra.s32 s19, $0x2;
	[sflag:s15] =	ssyncadd.s32 $0xFFFFF800;
	p0 =	sne.s32 s19, $0x4E00  }
0x4e: {  	[spmem:s2] =	stream.indirect.scatter.add.f32 [tilespmem:s16], [sflag:$0x1], $0x10, s20, s17, $0xb8;
	[tilespmem:$0xDF80] =	vst v63  }
.Ltmp3:
0x4f: {  	_ = 	snop;
	(pc) =	sbr.rel @p0 .LBB2_8-.Ltmp3, $4  }
0x50: {  	_ = 	snop  }
0x51: {  	s19 =	sadd.s32 $0x200, s19  }
0x52: {  	_ =	swait.ge [sflag:s15], $0x800  }
0x53: {  	[sflag:s15] =	ssyncset.done $0x0  }
0x54: {  	[sflag:s15] =	ssyncadd.s32 $0xFFFFF800;
	s19 =	simm.s32 $0x0  }
0x55: {  	[tilespmem:s19], [sflag:$0x1] =	stream.linear.gather [hbm4b:s13+s19], $0x1400, $0x38;
	[tilespmem:$0xDF80] =	vst v63  }
0x56: {  	_ =	swait.ge [sflag:s15], $0x1400  }
0x57: {  	[sflag:s15] =	ssyncset.done $0x0  }
0x58: {  	s31 =	simm.s32 $0x0;
	[sflag:s15] =	ssyncadd.s32 $0xFFFFEC00  }
0x59: {  	[spmem:s2] =	stream.indirect.scatter.add.f32 [tilespmem:s16], [sflag:$0x1], $0x10, s31, s17, $0xb8;
	[tilespmem:$0xDF80] =	vst v63  }
0x5a: {  	_ =	swait.ge [sflag:s15], $0x800  }
0x5b: {  	s19 =	simm.s32 $0x200;
	[sflag:s15] =	ssyncset.done $0x0  }
.LBB2_10:
0x5c: {  	s20 =	sshra.s32 s19, $0x2;
	[sflag:s15] =	ssyncadd.s32 $0xFFFFF800;
	p0 =	sne.s32 s19, $0x4E00  }
0x5d: {  	[spmem:s2] =	stream.indirect.scatter.add.f32 [tilespmem:s16], [sflag:$0x1], $0x10, s20, s17, $0xb8;
	[tilespmem:$0xDF80] =	vst v63  }
.Ltmp4:
0x5e: {  	_ = 	snop;
	(pc) =	sbr.rel @p0 .LBB2_10-.Ltmp4, $4  }
0x5f: {  	_ = 	snop  }
0x60: {  	s19 =	sadd.s32 $0x200, s19  }
0x61: {  	_ =	swait.ge [sflag:s15], $0x800  }
0x62: {  	[sflag:s15] =	ssyncset.done $0x0  }
0x63: {  	s18 =	sadd.s32 $0x1, s18  }
0x64: {  	[sflag:s15] =	ssyncadd.s32 $0xFFFFF800;
	p0 =	sne.s32 s18, s8  }
.Ltmp5:
0x65: {  	[bflag:$0x0] =	sbarrier.arrive $0xFFFF;
	(pc) =	sbr.rel @p0 .LBB2_1-.Ltmp5, $4  }
0x66: {  	[hbm:s7], [sflag:s6] =	dma.local [spmem:s14], $0x1870  }
0x67: {  	_ =	swait.ge [sflag:s15], $0x1870  }
0x68: {  	[sflag:s15] =	ssyncset.done $0x0  }
0x69: {  	[sflag:s15] =	ssyncadd.s32 $0xFFFFE790  }
0x6a: {  	_ =	sfence.sel $0x180000  }
0x6b: {  	[bflag:$0x0] =	sbarrier.arrive $0xFFFF  }
0x6c: {  	p0 =	sne.s32 s0, $0x0;
	_ =	strace $0x90000047  }
0x6d: {  	s0 =	sadd.s32 @!p0 $0x100000, s1;
	[bflag:$0x2] =	sbarrier.arrive $0xFFFF  }
0x6e: {  	[sflag:s0] =	ssyncadd.tile.s32 @!p0 $0x1;
	_ =	shalt  }
.Lfunc_end2:
_tile_overlayer_lowered:
.L_overlay_start_2:
0x6f: {  	(tag) =	ssettag $0x2  }
0x70: {  	s0 =	rddreg [dreg:$0x0];
	s2 =	stileid.u32  }
0x71: {  	s1 =	rddreg [dreg:$0x1];
	p0 =	sne.s32 s2, $0x0  }
0x72: {  	s3 =	rddreg [dreg:$0x2];
	[bflag:$0x3] =	sbarrier.arrive $0xFFFF;
	s2 =	simm.s32 @!p0 $0x1C01  }
0x73: {  	[timem:s3], [sflag:s2] =	dma.local @!p0 [hbm:s0], s1  }
0x74: {  	s0 =	simm.s32 @!p0 $0x1  }
0x75: {  	_ =	swait.ge @!p0 [sflag:s0], s1  }
0x76: {  	s1 =	ssub.s32 @!p0 $0x0, s1;
	[sflag:s0] =	ssyncset.done @!p0 $0x0  }
0x77: {  	[sflag:s0] =	ssyncadd.s32 @!p0 s1  }
0x78: {  	[bflag:$0x3] =	sbarrier.arrive $0xFFFF  }
0x79: {  	_ =	shalt  }

// kernel: kernel.13.cloned.1.call-start
scs
__scs_entry_jumppad:
0x0: {  	(pc) =	sbr.rel $0x88, $3  }
0x1: {  	(tag) =	ssettag $0x0;
	lr =	simm.s32 $0x1  }
0x2: {  	[smem:$0x3F98] =	sst lr;
	_ =	strace $0xD0000000  }
0x3: {  	_ = 	snop  }
0x4: {  	_ = 	snop  }
0x5: {  	_ = 	snop  }
0x6: {  	_ = 	snop  }
0x7: {  	_ = 	snop  }
__scs_overlays_trampoline_lowered:
0x8: {  	[smem:$0x3FA7] =	sst s0  }
0x9: {  	[smem:$0x3FA8] =	sst s1  }
0xa: {  	[smem:$0x3FA9] =	sst s2  }
0xb: {  	[smem:$0x3FAA] =	sst s3  }
0xc: {  	[smem:$0x3FAB] =	sst s4  }
0xd: {  	[smem:$0x3FAC] =	sst s5  }
0xe: {  	[smem:$0x3FAD] =	sst s6  }
0xf: {  	[smem:$0x3FAE] =	sst s7  }
0x10: {  	[smem:$0x3FAF] =	sst s8  }
0x11: {  	[smem:$0x3FB0] =	sst s9;
	s0 =	simm.s32 @!p0 $0x0  }
0x12: {  	s1 =	sld [smem:$0x3F96];
	s0 =	simm.s32 @p0 $0x1  }
0x13: {  	[smem:$0x3FB1] =	sst s0;
	s0 =	simm.s32 @!p1 $0x0  }
0x14: {  	s2 =	sld [smem:$0x3F95];
	s0 =	simm.s32 @p1 $0x1  }
0x15: {  	[smem:$0x3FB2] =	sst s0;
	s0 =	simm.s32 @!p2 $0x0  }
0x16: {  	s3 =	sld [smem:$0x3FDB];
	s0 =	simm.s32 @p2 $0x1  }
0x17: {  	s4 =	simm.s32 $0x1BF5;
	[smem:$0x3FB4] =	sst s0  }
0x18: {  	s0 =	sld [smem:$0x3F97];
	_ =	swait.ge [sflag:s4], $0x0  }
0x19: {  	s7 =	sld [smem:$0x3F98]  }
0x1a: {  	s8 =	sadd.s32 $0xFFFFE003, lr  }
0x1b: {  	s9 =	sadd.s32 $0xFFFFFEF7, lr;
	s5 =	simm.s32 $0xFFFFFFFF;
	p2 =	slt.u32 s8, $0xFFFFF086  }
0x1c: {  	p1 =	slt.u32 s9, $0xF7A;
	s5 =	simm.s32 @!p2 $0x0  }
0x1d: {  	s5 =	simm.s32 @p1 $0x1;
	p0 =	seq.s32 s7, s2  }
0x1e: {  	s7 =	smul.u32 @!p0 $0xF7A, s2;
	p2 =	seq.s32 @!p0 s5, $0x0  }
0x1f: {  	s9 =	smul.u32 $0xF7A, s1;
	s8 =	simm.s32 @!p0 $0x1BF5;
	p2 =	por !p2, p0  }
0x20: {  	[sflag:s8] =	ssyncset.s32 @!p0 $0xFFFFF086;
	s6 =	sadd.s32 @!p0 s3, s7;
	s7 =	simm.s32 @!p0 $0x108  }
0x21: {  	s3 =	sadd.s32 s3, s9;
	s6 =	sadd.s32 @!p0 $0x88, s6;
	s7 =	simm.s32 @p2 $0x1082  }
0x22: {  	[simem:s7], [sflag:s8] =	dma.local @!p0 [hbm:s6], $0xF7A  }
0x23: {  	s9 =	sor.u32 $0xD0000000, s2;
	s6 =	simm.s32 $0x108;
	_ =	swait.ge @!p0 [sflag:s8], $0x0  }
0x24: {  	s3 =	sadd.s32 $0x88, s3;
	s6 =	simm.s32 @!p1 $0x1082;
	[sflag:s4] =	ssyncset.s32 $0xFFFFF086  }
0x25: {  	[simem:s6], [sflag:s4] =	dma.local [hbm:s3], $0xF7A  }
0x26: {  	[smem:$0x3F98] =	sst s1;
	(tag) =	ssettag s2;
	_ =	strace s9  }
0x27: {  	s1 =	sld [smem:$0x3FA8]  }
0x28: {  	s2 =	sld [smem:$0x3FA9]  }
0x29: {  	s4 =	sld [smem:$0x3FAB]  }
0x2a: {  	p0 =	seq.s32 s5, $0x0;
	s5 =	sld [smem:$0x3FAC]  }
0x2b: {  	s6 =	sld [smem:$0x3FAD]  }
0x2c: {  	s7 =	sld [smem:$0x3FAE]  }
0x2d: {  	s3 =	simm.s32 $0x108;
	s8 =	sld [smem:$0x3FAF]  }
0x2e: {  	s3 =	simm.s32 @!p0 $0x1082;
	s9 =	sld [smem:$0x3FB0]  }
0x2f: {  	lr =	sadd.s32 s0, s3;
	s0 =	sld [smem:$0x3FA7]  }
0x30: {  	s3 =	sld [smem:$0x3FAA]  }
0x31: {  	[smem:$0x3FB3] =	sst s10  }
0x32: {  	s10 =	sld [smem:$0x3FB1];
	_ =	sdelay $0x3  }
0x33: {  	p0 =	seq.s32 s10, $0x1;
	s10 =	sld [smem:$0x3FB3];
	_ =	sdelay $0x3  }
0x34: {  	[smem:$0x3FB3] =	sst s10  }
0x35: {  	s10 =	sld [smem:$0x3FB2];
	_ =	sdelay $0x3  }
0x36: {  	p1 =	seq.s32 s10, $0x1;
	s10 =	sld [smem:$0x3FB3];
	_ =	sdelay $0x3  }
0x37: {  	[smem:$0x3FB3] =	sst s10  }
0x38: {  	s10 =	sld [smem:$0x3FB4]  }
0x39: {  	_ = 	snop;
	(pc) =	sbr.ind lr, $3  }
0x3a: {  	_ = 	snop  }
0x3b: {  	_ = 	snop  }
0x3c: {  	p2 =	seq.s32 s10, $0x1;
	s10 =	sld [smem:$0x3FB3]  }
0x3d: {  	_ =	shalt  }
0x3e: {  	_ =	shalt  }
0x3f: {  	_ =	shalt  }
0x40: {  	_ =	shalt  }
0x41: {  	_ =	shalt  }
0x42: {  	_ =	shalt  }
0x43: {  	_ =	shalt  }
0x44: {  	_ =	shalt  }
0x45: {  	_ =	shalt  }
0x46: {  	_ =	shalt  }
0x47: {  	_ =	shalt  }
0x48: {  	_ =	shalt  }
0x49: {  	_ =	shalt  }
0x4a: {  	_ =	shalt  }
0x4b: {  	_ =	shalt  }
0x4c: {  	_ =	shalt  }
0x4d: {  	_ =	shalt  }
0x4e: {  	_ =	shalt  }
0x4f: {  	_ =	shalt  }
0x50: {  	_ =	shalt  }
0x51: {  	_ =	shalt  }
0x52: {  	_ =	shalt  }
0x53: {  	_ =	shalt  }
0x54: {  	_ =	shalt  }
0x55: {  	_ =	shalt  }
0x56: {  	_ =	shalt  }
0x57: {  	_ =	shalt  }
0x58: {  	_ =	shalt  }
0x59: {  	_ =	shalt  }
0x5a: {  	_ =	shalt  }
0x5b: {  	_ =	shalt  }
0x5c: {  	_ =	shalt  }
0x5d: {  	_ =	shalt  }
0x5e: {  	_ =	shalt  }
0x5f: {  	_ =	shalt  }
0x60: {  	_ =	shalt  }
0x61: {  	_ =	shalt  }
0x62: {  	_ =	shalt  }
0x63: {  	_ =	shalt  }
0x64: {  	_ =	shalt  }
0x65: {  	_ =	shalt  }
0x66: {  	_ =	shalt  }
0x67: {  	_ =	shalt  }
0x68: {  	_ =	shalt  }
0x69: {  	_ =	shalt  }
0x6a: {  	_ =	shalt  }
0x6b: {  	_ =	shalt  }
0x6c: {  	_ =	shalt  }
0x6d: {  	_ =	shalt  }
0x6e: {  	_ =	shalt  }
0x6f: {  	_ =	shalt  }
0x70: {  	_ =	shalt  }
0x71: {  	_ =	shalt  }
0x72: {  	_ =	shalt  }
0x73: {  	_ =	shalt  }
0x74: {  	_ =	shalt  }
0x75: {  	_ =	shalt  }
0x76: {  	_ =	shalt  }
0x77: {  	_ =	shalt  }
0x78: {  	_ =	shalt  }
0x79: {  	_ =	shalt  }
0x7a: {  	_ =	shalt  }
0x7b: {  	_ =	shalt  }
0x7c: {  	_ =	shalt  }
0x7d: {  	_ =	shalt  }
0x7e: {  	_ =	shalt  }
0x7f: {  	_ =	shalt  }
0x80: {  	_ =	shalt  }
0x81: {  	_ =	shalt  }
0x82: {  	_ =	shalt  }
0x83: {  	_ =	shalt  }
0x84: {  	_ =	shalt  }
0x85: {  	_ =	shalt  }
0x86: {  	_ =	shalt  }
0x87: {  	_ =	shalt  }
.Lfunc_end0:
.L_simem_size_0:
called_computation.1_lowered:
.L_overlay_start_0:
0x88: {  	s2 =	sld [smem:$0x3FD9]  }
0x89: {  	s3 =	sld [smem:$0x3FFE];
	_ =	sdelay $0x1  }
0x8a: {  	s1 =	srdreg.scid  }
0x8b: {  	s0 =	sand.u32 $0x1, s1  }
0x8c: {  	s16 =	sshll.u32 s0, $0xA;
	s2 =	sadd.s32 s3, s2  }
0x8d: {  	s2 =	sadd.s32 s2, s16  }
0x8e: {  	[smem:$0x3FBF] =	sst s2  }
0x8f: {  	_ = 	snop  }
0x90: {  	(tm) =	ssettm $0x1  }
0x91: {  	s17 =	sld [smem:$0x3FFB];
	_ =	sdelay $0x3  }
0x92: {  	_ =	strace s17  }
0x93: {  	s2 =	sld [smem:$0x3FFC];
	_ =	sdelay $0x3  }
0x94: {  	_ =	strace s2  }
0x95: {  	s2 =	sld [smem:$0x3FFD];
	_ =	sdelay $0x3  }
0x96: {  	_ =	strace s2  }
0x97: {  	_ =	strace $0x8FFFFFFF  }
0x98: {  	s18 =	sld [smem:$0x3FDB];
	_ =	sdelay $0x1  }
0x99: {  	s19 =	simm.s32 $_scs_section_size  }
0x9a: {  	s4 =	simm.s32 $_size__tile_overlayer_lowered;
	s5 =	simm.s32 $_tile_overlayer_lowered  }
0x9b: {  	s22 =	simm.s32 $0x1BFF;
	s21 =	sshll.u32 s5, $0x1;
	s2 =	sadd.s32 s19, s18  }
0x9c: {  	s6 =	simm.s32 $0x0;
	s20 =	sshll.u32 s4, $0x1;
	s4 =	sadd.s32 s21, s2  }
0x9d: {  	[timem:s6], [sflag:s22] =	dma.local [hbm:s4], s20  }
0x9e: {  	_ =	swait.ge [sflag:s22], s20  }
0x9f: {  	s3 =	ssub.s32 $0x0, s20;
	[sflag:s22] =	ssyncset.done $0x0  }
0xa0: {  	[sflag:s22] =	ssyncadd.s32 s3;
	_ =	sdelay $0x1  }
0xa1: {  	s23 =	simm.s32 $0x1B8B  }
0xa2: {  	_ =	swait.ge [sflag:s23], $0x1  }
0xa3: {  	[sflag:s23] =	ssyncset.done $0x0  }
0xa4: {  	s25 =	simm.s32 $0x1B8E;
	s24 =	sld [smem:$0x3FFE];
	[sflag:s23] =	ssyncadd.s32 $0xFFFFFFFF  }
0xa5: {  	s26 =	simm.s32 $execute0_lowered;
	[smem:$0x3FD2] =	sst s25  }
0xa6: {  	s4 =	sshll.u32 s26, $0x1;
	_ =	strace $0x80000049;
	[dreg:$0x1] =	wrdreg $0xFFFFFFFF  }
0xa7: {  	s28 =	simm.s32 $_size_execute0_lowered;
	s2 =	sadd.s32 s2, s4;
	[dreg:$0x0] =	wrdreg $0x0  }
0xa8: {  	s4 =	sshll.u32 s28, $0x1;
	[dreg:$0x2] =	wrdreg s2  }
0xa9: {  	[dreg:$0x3] =	wrdreg s4  }
0xaa: {  	[dreg:$0x4] =	wrdreg $0xC0  }
0xab: {  	_ =	task [dreg:s6], $0x5FFFF  }
0xac: {  	[dreg:$0x1] =	wrdreg $0xFFFFFFFF  }
0xad: {  	[dreg:$0x0] =	wrdreg $0x60  }
0xae: {  	[dreg:$0x2] =	wrdreg s24  }
0xaf: {  	[dreg:$0x3] =	wrdreg $0x78000  }
0xb0: {  	[dreg:$0x4] =	wrdreg $0x9  }
0xb1: {  	_ =	task.clear_ibuf [dreg:s6], $0x5FFFF;
	_ =	strace $0x90000049  }
0xb2: {  	s29 =	simm.s32 $0x9;
	_ =	strace $0x8000004B  }
0xb3: {  	_ =	swait.ge [sflag:s29], $0x1  }
0xb4: {  	[sflag:s29] =	ssyncadd.s32 $0xFFFFFFFF  }
0xb5: {  	_ =	strace $0x9000004B  }
0xb6: {  	_ =	sfence  }
0xb7: {  	s30 =	sld [smem:$0x0];
	_ =	sdelay $0x2  }
0xb8: {  	s31 =	sshll.u32 s1, $0xD;
	s1 =	sshrl.u32 s1, $0x2  }
0xb9: {  	s3 =	sand.u32 $0x4000, s31;
	s1 =	sadd.s32 s1, s30  }
0xba: {  	s0 =	sor.u32 s3, s0;
	s1 =	sshll.u32 s1, $0x11  }
0xbb: {  	s0 =	sor.u32 s1, s0  }
0xbc: {  	s0 =	sadd.s32 $0x8F2B, s0  }
0xbd: {  	[sflag:s0] =	ssyncadd.remote.s32 $0x1  }
0xbe: {  	_ =	sfence.sel $0xFFFF  }
0xbf: {  	[dreg:$0x0] =	wrdreg $0xFFFFFFFF;
	(pc) =	sbr.abs _section_cstart, $3  }
0xc0: {  	[dreg:$0x1] =	wrdreg $0xFFFFFFFF  }
0xc1: {  	_ =	task.clear_ibuf [dreg:s6], $0x2FFFF;
	_ =	strace $0x9FFFFFFF  }
0xc2: {  	(tm) =	ssettm $0x7FFFFFFF  }
0xc3: {  	_ =	shalt  }
tec
execute0_lowered:
.L_overlay_start_1:
0x0: {  	(tag) =	ssettag $0x1  }
0x1: {  	s0 =	rddreg [dreg:$0x0]  }
0x2: {  	s2 =	rddreg [dreg:$0x1];
	s3 =	simm.s32 $0x0  }
0x3: {  	s13 =	stileid.u32;
	s1 =	srdreg.scid;
	s14 =	simm.s32 $0x2  }
0x4: {  	s15 =	simm.s32 $0x80;
	s16 =	simm.s32 $0x2800;
	s17 =	simm.s32 $0x3800  }
0x5: {  	s18 =	simm.s32 $0x100;
	s19 =	simm.s32 $0x4800;
	s20 =	simm.s32 $0x180  }
0x6: {  	s21 =	simm.s32 $0x5800;
	s22 =	simm.s32 $0x1;
	s23 =	simm.s32 $0x0  }
0x7: {  	[smem:$0x7FF] =	sst s3;
	s7 =	smul.u32 $0x18700, s13;
	s1 =	sand.u32 $0x1, s1  }
0x8: {  	s4 =	sadd.s32 $0x1B800, s0;
	s5 =	sadd.s32 $0x128600, s0;
	s6 =	sadd.s32 $0x2800, s0  }
0x9: {  	s31 =	sshll.u32 s13, $0x6;
	s8 =	smul.u32 $0x187000, s1;
	s10 =	ssub.s32 $0x2, s1  }
0xa: {  	_ =	strace $0x8000004A;
	s9 =	sshrl.u32 s7, $0x3;
	s11 =	sshrl.u32 s10, $0x1  }
0xb: {  	s8 =	sadd.s32 s7, s8;
	s9 =	sadd.s32 s9, s0;
	s12 =	ssub.s32 s10, s11  }
0xc: {  	s7 =	sadd.s32 s7, s2;
	s10 =	smul.u32 $0xC8000, s1;
	s8 =	sshrl.u32 s8, $0x3  }
0xd: {  	s30 =	sadd.s32 $0x7D400, s9;
	s9 =	sor.u32 $0x1C02, s31;
	s0 =	sadd.s32 s8, s0  }
0xe: {  	s12 =	smax.u32 s12, $0x1;
	[dreg:$0x3] =	wrdreg s30;
	s0 =	sadd.s32 $0xAE200, s0  }
0xf: {  	s8 =	smul.u32 $0x190, s13;
	s13 =	sshrl.u32 s7, $0x3;
	[dreg:$0x4] =	wrdreg s0  }
.LBB2_1:
0x10: {  	s0 =	rddreg [dreg:$0x3]  }
0x11: {  	[spmem:s13], [sflag:s9] =	dma.local [hbm:s0], $0x30E0  }
0x12: {  	_ =	swait.ge [sflag:s14], $0x30E0  }
0x13: {  	[sflag:s14] =	ssyncset.done $0x0  }
0x14: {  	[sflag:s14] =	ssyncadd.s32 $0xFFFFCF20  }
0x15: {  	s24 =	simm.s32 $0x0;
	[bflag:$0x0] =	sbarrier.arrive $0xFFFF  }
.LBB2_2:
0x16: {  	s0 =	smul.u32 $0x28, s24;
	_ =	sdelay $0x1  }
0x17: {  	s0 =	sadd.s32 s8, s0  }
0x18: {  	s1 =	sshll.u32 s0, $0x7  }
0x19: {  	s1 =	sadd.s32 s10, s1  }
0x1a: {  	s1 =	sshrl.u32 s1, $0x3  }
0x1b: {  	s1 =	sadd.s32 s5, s1  }
0x1c: {  	[tilespmem:s3], [sflag:$0x2] =	stream.linear.gather [hbm4b:s1+s3], $0x1400, $0x38;
	[tilespmem:$0x1FF00] =	vst v63  }
0x1d: {  	_ =	swait.ge [sflag:s14], $0x1400  }
0x1e: {  	s0 =	sshll.u32 s0, $0x4;
	[sflag:s14] =	ssyncset.done $0x0  }
0x1f: {  	s29 =	simm.s32 $0x1400;
	s0 =	sadd.s32 s6, s0;
	[sflag:s14] =	ssyncadd.s32 $0xFFFFEC00  }
0x20: {  	[tilespmem:s29], [sflag:$0x2] =	stream.linear.gather [hbm4b:s0+s3], $0x1400, $0x38;
	[tilespmem:$0x1FF00] =	vst v63  }
0x21: {  	p0 =	por $0x0, $0x0;
	s0 =	simm.s32 $0x4  }
0x22: {  	_ =	swait.ge [sflag:s14], $0x1400;
	s0 =	smul.u32 @!p0 $0xCD, s0  }
0x23: {  	[sflag:s14] =	ssyncset.done $0x0  }
0x24: {  	[sflag:s14] =	ssyncadd.s32 $0xFFFFEC00;
	s0 =	sshrl.u32 @!p0 s0, $0xA  }
0x25: {  	[tilespmem:s16], [sflag:$0x1] =	stream.indirect.gather [hbm4b:s4+s15], $0x20, s3, s15, $0xb8;
	[tilespmem:$0x1FF00] =	vst v63  }
0x26: {  	s0 =	sand.u32 @!p0 $0x3F, s0  }
0x27: {  	s26 =	simm.s32 $0x0;
	s0 =	smul.u32 @!p0 $0x5, s0  }
0x28: {  	[tilespmem:s17], [sflag:$0x1] =	stream.indirect.gather [hbm4b:s4+s15], $0x20, s15, s15, $0xb8;
	[tilespmem:$0x1FF00] =	vst v63  }
0x29: {  	s1 =	smul.u32 $0xCD, s26;
	s0 =	ssub.s32 @!p0 $0x4, s0  }
0x2a: {  	[tilespmem:s19], [sflag:$0x1] =	stream.indirect.gather [hbm4b:s4+s15], $0x20, s18, s15, $0xb8;
	[tilespmem:$0x1FF00] =	vst v63  }
0x2b: {  	s0 =	sand.u32 @!p0 $0xFF, s0  }
0x2c: {  	s7 =	simm.s32 @!p0 $0x80;
	s1 =	sshrl.u32 s1, $0xA;
	s0 =	sshll.u32 @!p0 s0, $0xC  }
0x2d: {  	[tilespmem:s21], [sflag:$0x1] =	stream.indirect.gather [hbm4b:s4+s15], $0x20, s20, s15, $0xb8;
	[tilespmem:$0x1FF00] =	vst v63  }
0x2e: {  	s26 =	simm.s32 $0x200;
	s1 =	sand.u32 $0x3F, s1;
	s0 =	sadd.s32 @!p0 $0x2800, s0  }
0x2f: {  	[tilespmem:s0], [sflag:$0x1] =	stream.indirect.gather @!p0 [hbm4b:s4+s7], $0x20, s26, s7, $0xb8;
	[tilespmem:$0x1FF00] =	vst v63  }
0x30: {  	s30 =	simm.s32 $0x5;
	s25 =	simm.s32 $0x1;
	s7 =	smul.u32 $0x5, s1  }
0x31: {  	s11 =	smul.u32 $0xCD, s25;
	p0 =	por $0x0, $0x0;
	_ =	swait.ge [sflag:s22], $0x1000  }
0x32: {  	s0 =	ssub.s32 $0x0, s7;
	[sflag:s22] =	ssyncset.done $0x0;
	s7 =	smul.u32 @!p0 $0xCD, s30  }
0x33: {  	s31 =	simm.s32 $0x6;
	s0 =	sand.u32 $0xFF, s0;
	[sflag:s22] =	ssyncadd.s32 $0xFFFFF000  }
0x34: {  	s28 =	sshll.u32 s0, $0xC;
	s7 =	sshrl.u32 @!p0 s7, $0xA;
	s0 =	sshrl.u32 s11, $0xA  }
0x35: {  	s1 =	sadd.s32 $0x2800, s28;
	s7 =	sand.u32 @!p0 $0x3F, s7;
	s28 =	simm.s32 $0x1480  }
.LBB2_3:
0x36: {  	s7 =	smul.u32 @!p0 $0x5, s7  }
0x37: {  	s26 =	sadd.s32 $0x80, s26;
	s11 =	smov.u32 s31;
	s31 =	sadd.s32 $0x1, s31  }
0x38: {  	[spmem:s2] =	stream.indirect.scatter.add.f32 [tilespmem:s1], [sflag:$0x2], $0x20, s29, s15, $0xb8;
	[tilespmem:$0x1FF00] =	vst v63  }
0x39: {  	s0 =	sand.u32 $0x3F, s0;
	p1 =	sne.s32 s31, $0x2C  }
0x3a: {  	s0 =	smul.u32 $0x5, s0;
	s1 =	ssub.s32 @!p0 s30, s7;
	_ =	swait.ge [sflag:s14], $0x1000  }
0x3b: {  	s7 =	simm.s32 @!p0 $0x80;
	s1 =	sand.u32 @!p0 $0xFF, s1;
	[sflag:s14] =	ssyncset.done $0x0  }
0x3c: {  	s30 =	smov.u32 s11;
	s1 =	sshll.u32 @!p0 s1, $0xC;
	[sflag:s14] =	ssyncadd.s32 $0xFFFFF000  }
0x3d: {  	s0 =	ssub.s32 s25, s0;
	s25 =	sadd.s32 $0xFFFFFFFC, s30;
	s1 =	sadd.s32 @!p0 $0x2800, s1  }
0x3e: {  	[tilespmem:s1], [sflag:$0x1] =	stream.indirect.gather @!p0 [hbm4b:s4+s7], $0x20, s26, s7, $0xb8;
	[tilespmem:$0x1FF00] =	vst v63  }
0x3f: {  	s1 =	smul.u32 $0xCD, s25;
	_ =	swait.ge [sflag:s22], $0x1000  }
.Ltmp0:
0x40: {  	p0 =	sgt.u32 s25, $0x23;
	[sflag:s22] =	ssyncset.done $0x0;
	(pc) =	sbr.rel @p1 .LBB2_3-.Ltmp0, $4  }
0x41: {  	s0 =	sand.u32 $0xFF, s0;
	s7 =	smul.u32 @!p0 $0xCD, s30;
	[sflag:s22] =	ssyncadd.s32 $0xFFFFF000  }
0x42: {  	s29 =	smov.u32 s28;
	s11 =	sshll.u32 s0, $0xC  }
0x43: {  	s0 =	sshrl.u32 s1, $0xA;
	s1 =	sadd.s32 $0x2800, s11;
	s7 =	sshrl.u32 @!p0 s7, $0xA  }
0x44: {  	s28 =	sadd.s32 $0x80, s28;
	s7 =	sand.u32 @!p0 $0x3F, s7  }
0x45: {  	s7 =	smul.u32 @!p0 $0x5, s7  }
0x46: {  	[spmem:s2] =	stream.indirect.scatter.add.f32 [tilespmem:s1], [sflag:$0x2], $0x20, s29, s15, $0xb8;
	[tilespmem:$0x1FF00] =	vst v63  }
0x47: {  	s1 =	sadd.s32 $0x80, s26;
	s0 =	sand.u32 $0x3F, s0;
	s7 =	ssub.s32 @!p0 s30, s7  }
0x48: {  	_ =	swait.ge [sflag:s14], $0x1000;
	s0 =	smul.u32 $0x5, s0;
	s7 =	sand.u32 @!p0 $0xFF, s7  }
0x49: {  	s11 =	simm.s32 @!p0 $0x80;
	[sflag:s14] =	ssyncset.done $0x0;
	s7 =	sshll.u32 @!p0 s7, $0xC  }
0x4a: {  	[sflag:s14] =	ssyncadd.s32 $0xFFFFF000;
	s0 =	ssub.s32 s25, s0;
	s7 =	sadd.s32 @!p0 $0x2800, s7  }
0x4b: {  	[tilespmem:s7], [sflag:$0x1] =	stream.indirect.gather @!p0 [hbm4b:s4+s11], $0x20, s1, s11, $0xb8;
	[tilespmem:$0x1FF00] =	vst v63  }
0x4c: {  	s24 =	sadd.s32 $0x1, s24;
	s0 =	sand.u32 $0xFF, s0;
	_ =	swait.ge [sflag:s22], $0x1000  }
0x4d: {  	s0 =	sshll.u32 s0, $0xC;
	p0 =	sne.s32 s24, $0xA;
	[sflag:s22] =	ssyncset.done $0x0  }
.Ltmp1:
0x4e: {  	s0 =	sadd.s32 $0x2800, s0;
	[sflag:s22] =	ssyncadd.s32 $0xFFFFF000;
	(pc) =	sbr.rel @p0 .LBB2_2-.Ltmp1, $4  }
0x4f: {  	[spmem:s2] =	stream.indirect.scatter.add.f32 [tilespmem:s0], [sflag:$0x2], $0x20, s28, s15, $0xb8;
	[tilespmem:$0x1FF00] =	vst v63  }
0x50: {  	_ =	swait.ge [sflag:s14], $0x1000  }
0x51: {  	[sflag:s14] =	ssyncset.done $0x0  }
0x52: {  	[sflag:s14] =	ssyncadd.s32 $0xFFFFF000  }
0x53: {  	s23 =	sadd.s32 $0x1, s23  }
0x54: {  	[bflag:$0x0] =	sbarrier.arrive $0xFFFF;
	p0 =	sne.s32 s23, s12  }
.Ltmp2:
0x55: {  	s0 =	rddreg [dreg:$0x4];
	(pc) =	sbr.rel @p0 .LBB2_1-.Ltmp2, $4  }
0x56: {  	[hbm:s0], [sflag:s9] =	dma.local [spmem:s13], $0x30E0  }
0x57: {  	_ =	swait.ge [sflag:s14], $0x30E0  }
0x58: {  	[sflag:s14] =	ssyncset.done $0x0  }
0x59: {  	[sflag:s14] =	ssyncadd.s32 $0xFFFFCF20  }
0x5a: {  	_ =	sfence.sel $0x180000  }
0x5b: {  	[bflag:$0x0] =	sbarrier.arrive $0xFFFF  }
0x5c: {  	_ =	strace $0x9000004A  }
0x5d: {  	s0 =	stileid.u32;
	[bflag:$0x2] =	sbarrier.arrive $0xFFFF  }
0x5e: {  	p0 =	sne.s32 s0, $0x0;
	s0 =	rddreg [dreg:$0x2]  }
0x5f: {  	s0 =	sadd.s32 @!p0 $0x100000, s0  }
0x60: {  	[sflag:s0] =	ssyncadd.tile.s32 @!p0 $0x1;
	_ =	shalt  }
.Lfunc_end2:
_tile_overlayer_lowered:
.L_overlay_start_2:
0x61: {  	(tag) =	ssettag $0x2  }
0x62: {  	s0 =	rddreg [dreg:$0x0];
	s2 =	stileid.u32  }
0x63: {  	s1 =	rddreg [dreg:$0x1];
	p0 =	sne.s32 s2, $0x0  }
0x64: {  	s3 =	rddreg [dreg:$0x2];
	[bflag:$0x3] =	sbarrier.arrive $0xFFFF;
	s2 =	simm.s32 @!p0 $0x1C02  }
0x65: {  	[timem:s3], [sflag:s2] =	dma.local @!p0 [hbm:s0], s1  }
0x66: {  	s0 =	simm.s32 @!p0 $0x2  }
0x67: {  	_ =	swait.ge @!p0 [sflag:s0], s1  }
0x68: {  	s1 =	ssub.s32 @!p0 $0x0, s1;
	[sflag:s0] =	ssyncset.done @!p0 $0x0  }
0x69: {  	[sflag:s0] =	ssyncadd.s32 @!p0 s1  }
0x6a: {  	[bflag:$0x3] =	sbarrier.arrive $0xFFFF  }
0x6b: {  	_ =	shalt  }

// kernel: kernel.16.cloned.1.call-start
scs
__scs_entry_jumppad:
0x0: {  	(pc) =	sbr.rel $0x88, $3  }
0x1: {  	(tag) =	ssettag $0x0;
	lr =	simm.s32 $0x1  }
0x2: {  	[smem:$0x3F98] =	sst lr;
	_ =	strace $0xD0000000  }
0x3: {  	_ = 	snop  }
0x4: {  	_ = 	snop  }
0x5: {  	_ = 	snop  }
0x6: {  	_ = 	snop  }
0x7: {  	_ = 	snop  }
__scs_overlays_trampoline_lowered:
0x8: {  	[smem:$0x3FA7] =	sst s0  }
0x9: {  	[smem:$0x3FA8] =	sst s1  }
0xa: {  	[smem:$0x3FA9] =	sst s2  }
0xb: {  	[smem:$0x3FAA] =	sst s3  }
0xc: {  	[smem:$0x3FAB] =	sst s4  }
0xd: {  	[smem:$0x3FAC] =	sst s5  }
0xe: {  	[smem:$0x3FAD] =	sst s6  }
0xf: {  	[smem:$0x3FAE] =	sst s7  }
0x10: {  	[smem:$0x3FAF] =	sst s8  }
0x11: {  	[smem:$0x3FB0] =	sst s9;
	s0 =	simm.s32 @!p0 $0x0  }
0x12: {  	s1 =	sld [smem:$0x3F96];
	s0 =	simm.s32 @p0 $0x1  }
0x13: {  	[smem:$0x3FB1] =	sst s0;
	s0 =	simm.s32 @!p1 $0x0  }
0x14: {  	s2 =	sld [smem:$0x3F95];
	s0 =	simm.s32 @p1 $0x1  }
0x15: {  	[smem:$0x3FB2] =	sst s0;
	s0 =	simm.s32 @!p2 $0x0  }
0x16: {  	s3 =	sld [smem:$0x3FDB];
	s0 =	simm.s32 @p2 $0x1  }
0x17: {  	s4 =	simm.s32 $0x1BF5;
	[smem:$0x3FB4] =	sst s0  }
0x18: {  	s0 =	sld [smem:$0x3F97];
	_ =	swait.ge [sflag:s4], $0x0  }
0x19: {  	s7 =	sld [smem:$0x3F98]  }
0x1a: {  	s8 =	sadd.s32 $0xFFFFE003, lr  }
0x1b: {  	s9 =	sadd.s32 $0xFFFFFEF7, lr;
	s5 =	simm.s32 $0xFFFFFFFF;
	p2 =	slt.u32 s8, $0xFFFFF086  }
0x1c: {  	p1 =	slt.u32 s9, $0xF7A;
	s5 =	simm.s32 @!p2 $0x0  }
0x1d: {  	s5 =	simm.s32 @p1 $0x1;
	p0 =	seq.s32 s7, s2  }
0x1e: {  	s7 =	smul.u32 @!p0 $0xF7A, s2;
	p2 =	seq.s32 @!p0 s5, $0x0  }
0x1f: {  	s9 =	smul.u32 $0xF7A, s1;
	s8 =	simm.s32 @!p0 $0x1BF5;
	p2 =	por !p2, p0  }
0x20: {  	[sflag:s8] =	ssyncset.s32 @!p0 $0xFFFFF086;
	s6 =	sadd.s32 @!p0 s3, s7;
	s7 =	simm.s32 @!p0 $0x108  }
0x21: {  	s3 =	sadd.s32 s3, s9;
	s6 =	sadd.s32 @!p0 $0x88, s6;
	s7 =	simm.s32 @p2 $0x1082  }
0x22: {  	[simem:s7], [sflag:s8] =	dma.local @!p0 [hbm:s6], $0xF7A  }
0x23: {  	s9 =	sor.u32 $0xD0000000, s2;
	s6 =	simm.s32 $0x108;
	_ =	swait.ge @!p0 [sflag:s8], $0x0  }
0x24: {  	s3 =	sadd.s32 $0x88, s3;
	s6 =	simm.s32 @!p1 $0x1082;
	[sflag:s4] =	ssyncset.s32 $0xFFFFF086  }
0x25: {  	[simem:s6], [sflag:s4] =	dma.local [hbm:s3], $0xF7A  }
0x26: {  	[smem:$0x3F98] =	sst s1;
	(tag) =	ssettag s2;
	_ =	strace s9  }
0x27: {  	s1 =	sld [smem:$0x3FA8]  }
0x28: {  	s2 =	sld [smem:$0x3FA9]  }
0x29: {  	s4 =	sld [smem:$0x3FAB]  }
0x2a: {  	p0 =	seq.s32 s5, $0x0;
	s5 =	sld [smem:$0x3FAC]  }
0x2b: {  	s6 =	sld [smem:$0x3FAD]  }
0x2c: {  	s7 =	sld [smem:$0x3FAE]  }
0x2d: {  	s3 =	simm.s32 $0x108;
	s8 =	sld [smem:$0x3FAF]  }
0x2e: {  	s3 =	simm.s32 @!p0 $0x1082;
	s9 =	sld [smem:$0x3FB0]  }
0x2f: {  	lr =	sadd.s32 s0, s3;
	s0 =	sld [smem:$0x3FA7]  }
0x30: {  	s3 =	sld [smem:$0x3FAA]  }
0x31: {  	[smem:$0x3FB3] =	sst s10  }
0x32: {  	s10 =	sld [smem:$0x3FB1];
	_ =	sdelay $0x3  }
0x33: {  	p0 =	seq.s32 s10, $0x1;
	s10 =	sld [smem:$0x3FB3];
	_ =	sdelay $0x3  }
0x34: {  	[smem:$0x3FB3] =	sst s10  }
0x35: {  	s10 =	sld [smem:$0x3FB2];
	_ =	sdelay $0x3  }
0x36: {  	p1 =	seq.s32 s10, $0x1;
	s10 =	sld [smem:$0x3FB3];
	_ =	sdelay $0x3  }
0x37: {  	[smem:$0x3FB3] =	sst s10  }
0x38: {  	s10 =	sld [smem:$0x3FB4]  }
0x39: {  	_ = 	snop;
	(pc) =	sbr.ind lr, $3  }
0x3a: {  	_ = 	snop  }
0x3b: {  	_ = 	snop  }
0x3c: {  	p2 =	seq.s32 s10, $0x1;
	s10 =	sld [smem:$0x3FB3]  }
0x3d: {  	_ =	shalt  }
0x3e: {  	_ =	shalt  }
0x3f: {  	_ =	shalt  }
0x40: {  	_ =	shalt  }
0x41: {  	_ =	shalt  }
0x42: {  	_ =	shalt  }
0x43: {  	_ =	shalt  }
0x44: {  	_ =	shalt  }
0x45: {  	_ =	shalt  }
0x46: {  	_ =	shalt  }
0x47: {  	_ =	shalt  }
0x48: {  	_ =	shalt  }
0x49: {  	_ =	shalt  }
0x4a: {  	_ =	shalt  }
0x4b: {  	_ =	shalt  }
0x4c: {  	_ =	shalt  }
0x4d: {  	_ =	shalt  }
0x4e: {  	_ =	shalt  }
0x4f: {  	_ =	shalt  }
0x50: {  	_ =	shalt  }
0x51: {  	_ =	shalt  }
0x52: {  	_ =	shalt  }
0x53: {  	_ =	shalt  }
0x54: {  	_ =	shalt  }
0x55: {  	_ =	shalt  }
0x56: {  	_ =	shalt  }
0x57: {  	_ =	shalt  }
0x58: {  	_ =	shalt  }
0x59: {  	_ =	shalt  }
0x5a: {  	_ =	shalt  }
0x5b: {  	_ =	shalt  }
0x5c: {  	_ =	shalt  }
0x5d: {  	_ =	shalt  }
0x5e: {  	_ =	shalt  }
0x5f: {  	_ =	shalt  }
0x60: {  	_ =	shalt  }
0x61: {  	_ =	shalt  }
0x62: {  	_ =	shalt  }
0x63: {  	_ =	shalt  }
0x64: {  	_ =	shalt  }
0x65: {  	_ =	shalt  }
0x66: {  	_ =	shalt  }
0x67: {  	_ =	shalt  }
0x68: {  	_ =	shalt  }
0x69: {  	_ =	shalt  }
0x6a: {  	_ =	shalt  }
0x6b: {  	_ =	shalt  }
0x6c: {  	_ =	shalt  }
0x6d: {  	_ =	shalt  }
0x6e: {  	_ =	shalt  }
0x6f: {  	_ =	shalt  }
0x70: {  	_ =	shalt  }
0x71: {  	_ =	shalt  }
0x72: {  	_ =	shalt  }
0x73: {  	_ =	shalt  }
0x74: {  	_ =	shalt  }
0x75: {  	_ =	shalt  }
0x76: {  	_ =	shalt  }
0x77: {  	_ =	shalt  }
0x78: {  	_ =	shalt  }
0x79: {  	_ =	shalt  }
0x7a: {  	_ =	shalt  }
0x7b: {  	_ =	shalt  }
0x7c: {  	_ =	shalt  }
0x7d: {  	_ =	shalt  }
0x7e: {  	_ =	shalt  }
0x7f: {  	_ =	shalt  }
0x80: {  	_ =	shalt  }
0x81: {  	_ =	shalt  }
0x82: {  	_ =	shalt  }
0x83: {  	_ =	shalt  }
0x84: {  	_ =	shalt  }
0x85: {  	_ =	shalt  }
0x86: {  	_ =	shalt  }
0x87: {  	_ =	shalt  }
.Lfunc_end0:
.L_simem_size_0:
called_computation.2_lowered:
.L_overlay_start_0:
0x88: {  	s2 =	sld [smem:$0x3FD9]  }
0x89: {  	s3 =	sld [smem:$0x3FFE];
	_ =	sdelay $0x1  }
0x8a: {  	s1 =	srdreg.scid  }
0x8b: {  	s0 =	sand.u32 $0x1, s1  }
0x8c: {  	s16 =	sshll.u32 s0, $0xA;
	s2 =	sadd.s32 s3, s2  }
0x8d: {  	s2 =	sadd.s32 s2, s16  }
0x8e: {  	[smem:$0x3FBF] =	sst s2  }
0x8f: {  	_ = 	snop  }
0x90: {  	(tm) =	ssettm $0x1  }
0x91: {  	s17 =	sld [smem:$0x3FFB];
	_ =	sdelay $0x3  }
0x92: {  	_ =	strace s17  }
0x93: {  	s2 =	sld [smem:$0x3FFC];
	_ =	sdelay $0x3  }
0x94: {  	_ =	strace s2  }
0x95: {  	s2 =	sld [smem:$0x3FFD];
	_ =	sdelay $0x3  }
0x96: {  	_ =	strace s2  }
0x97: {  	_ =	strace $0x8FFFFFFF  }
0x98: {  	s18 =	sld [smem:$0x3FDB];
	_ =	sdelay $0x1  }
0x99: {  	s19 =	simm.s32 $_scs_section_size  }
0x9a: {  	s4 =	simm.s32 $_size__tile_overlayer_lowered;
	s5 =	simm.s32 $_tile_overlayer_lowered  }
0x9b: {  	s22 =	simm.s32 $0x1BFF;
	s21 =	sshll.u32 s5, $0x1;
	s2 =	sadd.s32 s19, s18  }
0x9c: {  	s6 =	simm.s32 $0x0;
	s20 =	sshll.u32 s4, $0x1;
	s4 =	sadd.s32 s21, s2  }
0x9d: {  	[timem:s6], [sflag:s22] =	dma.local [hbm:s4], s20  }
0x9e: {  	_ =	swait.ge [sflag:s22], s20  }
0x9f: {  	s3 =	ssub.s32 $0x0, s20;
	[sflag:s22] =	ssyncset.done $0x0  }
0xa0: {  	[sflag:s22] =	ssyncadd.s32 s3;
	_ =	sdelay $0x1  }
0xa1: {  	s23 =	simm.s32 $0x1B8B  }
0xa2: {  	_ =	swait.ge [sflag:s23], $0x1  }
0xa3: {  	[sflag:s23] =	ssyncset.done $0x0  }
0xa4: {  	s25 =	simm.s32 $0x1B8E;
	s24 =	sld [smem:$0x3FFE];
	[sflag:s23] =	ssyncadd.s32 $0xFFFFFFFF  }
0xa5: {  	s26 =	simm.s32 $execute0_lowered;
	[smem:$0x3FD2] =	sst s25  }
0xa6: {  	s4 =	sshll.u32 s26, $0x1;
	_ =	strace $0x8000004C;
	[dreg:$0x1] =	wrdreg $0xFFFFFFFF  }
0xa7: {  	s28 =	simm.s32 $_size_execute0_lowered;
	s2 =	sadd.s32 s2, s4;
	[dreg:$0x0] =	wrdreg $0x0  }
0xa8: {  	s4 =	sshll.u32 s28, $0x1;
	[dreg:$0x2] =	wrdreg s2  }
0xa9: {  	[dreg:$0x3] =	wrdreg s4  }
0xaa: {  	[dreg:$0x4] =	wrdreg $0xC0  }
0xab: {  	_ =	task [dreg:s6], $0x5FFFF  }
0xac: {  	[dreg:$0x1] =	wrdreg $0xFFFFFFFF  }
0xad: {  	[dreg:$0x0] =	wrdreg $0x60  }
0xae: {  	[dreg:$0x2] =	wrdreg s24  }
0xaf: {  	[dreg:$0x3] =	wrdreg $0x78000  }
0xb0: {  	[dreg:$0x4] =	wrdreg $0x9  }
0xb1: {  	_ =	task.clear_ibuf [dreg:s6], $0x5FFFF;
	_ =	strace $0x9000004C  }
0xb2: {  	s29 =	simm.s32 $0x9;
	_ =	strace $0x8000004E  }
0xb3: {  	_ =	swait.ge [sflag:s29], $0x1  }
0xb4: {  	[sflag:s29] =	ssyncadd.s32 $0xFFFFFFFF  }
0xb5: {  	_ =	strace $0x9000004E  }
0xb6: {  	_ =	sfence  }
0xb7: {  	s30 =	sld [smem:$0x0];
	_ =	sdelay $0x2  }
0xb8: {  	s31 =	sshll.u32 s1, $0xD;
	s1 =	sshrl.u32 s1, $0x2  }
0xb9: {  	s3 =	sand.u32 $0x4000, s31;
	s1 =	sadd.s32 s1, s30  }
0xba: {  	s0 =	sor.u32 s3, s0;
	s1 =	sshll.u32 s1, $0x11  }
0xbb: {  	s0 =	sor.u32 s1, s0  }
0xbc: {  	s0 =	sadd.s32 $0x8F2B, s0  }
0xbd: {  	[sflag:s0] =	ssyncadd.remote.s32 $0x1  }
0xbe: {  	_ =	sfence.sel $0xFFFF  }
0xbf: {  	[dreg:$0x0] =	wrdreg $0xFFFFFFFF;
	(pc) =	sbr.abs _section_cstart, $3  }
0xc0: {  	[dreg:$0x1] =	wrdreg $0xFFFFFFFF  }
0xc1: {  	_ =	task.clear_ibuf [dreg:s6], $0x2FFFF;
	_ =	strace $0x9FFFFFFF  }
0xc2: {  	(tm) =	ssettm $0x7FFFFFFF  }
0xc3: {  	_ =	shalt  }
tec
execute0_lowered:
.L_overlay_start_1:
0x0: {  	(tag) =	ssettag $0x1  }
0x1: {  	s0 =	rddreg [dreg:$0x0]  }
0x2: {  	s2 =	rddreg [dreg:$0x1];
	s3 =	simm.s32 $0x0  }
0x3: {  	s13 =	stileid.u32;
	s1 =	srdreg.scid;
	s14 =	simm.s32 $0x2  }
0x4: {  	s15 =	simm.s32 $0x80;
	s16 =	simm.s32 $0x2800;
	s17 =	simm.s32 $0x3800  }
0x5: {  	s18 =	simm.s32 $0x100;
	s19 =	simm.s32 $0x4800;
	s20 =	simm.s32 $0x180  }
0x6: {  	s21 =	simm.s32 $0x5800;
	s22 =	simm.s32 $0x1;
	s23 =	simm.s32 $0x0  }
0x7: {  	[smem:$0x7FF] =	sst s3;
	s7 =	smul.u32 $0x18700, s13;
	s1 =	sand.u32 $0x1, s1  }
0x8: {  	s4 =	sadd.s32 $0x1B800, s0;
	s5 =	sadd.s32 $0x128600, s0;
	s6 =	sadd.s32 $0x2800, s0  }
0x9: {  	s31 =	sshll.u32 s13, $0x6;
	s8 =	smul.u32 $0x187000, s1;
	s10 =	ssub.s32 $0x2, s1  }
0xa: {  	_ =	strace $0x8000004D;
	s9 =	sshrl.u32 s7, $0x3;
	s11 =	sshrl.u32 s10, $0x1  }
0xb: {  	s8 =	sadd.s32 s7, s8;
	s9 =	sadd.s32 s9, s0;
	s12 =	ssub.s32 s10, s11  }
0xc: {  	s7 =	sadd.s32 s7, s2;
	s10 =	smul.u32 $0xC8000, s1;
	s8 =	sshrl.u32 s8, $0x3  }
0xd: {  	s30 =	sadd.s32 $0x7D400, s9;
	s9 =	sor.u32 $0x1C02, s31;
	s0 =	sadd.s32 s8, s0  }
0xe: {  	s12 =	smax.u32 s12, $0x1;
	[dreg:$0x3] =	wrdreg s30;
	s0 =	sadd.s32 $0xAE200, s0  }
0xf: {  	s8 =	smul.u32 $0x190, s13;
	s13 =	sshrl.u32 s7, $0x3;
	[dreg:$0x4] =	wrdreg s0  }
.LBB2_1:
0x10: {  	s0 =	rddreg [dreg:$0x3]  }
0x11: {  	[spmem:s13], [sflag:s9] =	dma.local [hbm:s0], $0x30E0  }
0x12: {  	_ =	swait.ge [sflag:s14], $0x30E0  }
0x13: {  	[sflag:s14] =	ssyncset.done $0x0  }
0x14: {  	[sflag:s14] =	ssyncadd.s32 $0xFFFFCF20  }
0x15: {  	s24 =	simm.s32 $0x0;
	[bflag:$0x0] =	sbarrier.arrive $0xFFFF  }
.LBB2_2:
0x16: {  	s0 =	smul.u32 $0x28, s24;
	_ =	sdelay $0x1  }
0x17: {  	s0 =	sadd.s32 s8, s0  }
0x18: {  	s1 =	sshll.u32 s0, $0x7  }
0x19: {  	s1 =	sadd.s32 s10, s1  }
0x1a: {  	s1 =	sshrl.u32 s1, $0x3  }
0x1b: {  	s1 =	sadd.s32 s5, s1  }
0x1c: {  	[tilespmem:s3], [sflag:$0x2] =	stream.linear.gather [hbm4b:s1+s3], $0x1400, $0x38;
	[tilespmem:$0x1FF00] =	vst v63  }
0x1d: {  	_ =	swait.ge [sflag:s14], $0x1400  }
0x1e: {  	s0 =	sshll.u32 s0, $0x4;
	[sflag:s14] =	ssyncset.done $0x0  }
0x1f: {  	s29 =	simm.s32 $0x1400;
	s0 =	sadd.s32 s6, s0;
	[sflag:s14] =	ssyncadd.s32 $0xFFFFEC00  }
0x20: {  	[tilespmem:s29], [sflag:$0x2] =	stream.linear.gather [hbm4b:s0+s3], $0x1400, $0x38;
	[tilespmem:$0x1FF00] =	vst v63  }
0x21: {  	p0 =	por $0x0, $0x0;
	s0 =	simm.s32 $0x4  }
0x22: {  	_ =	swait.ge [sflag:s14], $0x1400;
	s0 =	smul.u32 @!p0 $0xCD, s0  }
0x23: {  	[sflag:s14] =	ssyncset.done $0x0  }
0x24: {  	[sflag:s14] =	ssyncadd.s32 $0xFFFFEC00;
	s0 =	sshrl.u32 @!p0 s0, $0xA  }
0x25: {  	[tilespmem:s16], [sflag:$0x1] =	stream.indirect.gather [hbm4b:s4+s15], $0x20, s3, s15, $0xb8;
	[tilespmem:$0x1FF00] =	vst v63  }
0x26: {  	s0 =	sand.u32 @!p0 $0x3F, s0  }
0x27: {  	s26 =	simm.s32 $0x0;
	s0 =	smul.u32 @!p0 $0x5, s0  }
0x28: {  	[tilespmem:s17], [sflag:$0x1] =	stream.indirect.gather [hbm4b:s4+s15], $0x20, s15, s15, $0xb8;
	[tilespmem:$0x1FF00] =	vst v63  }
0x29: {  	s1 =	smul.u32 $0xCD, s26;
	s0 =	ssub.s32 @!p0 $0x4, s0  }
0x2a: {  	[tilespmem:s19], [sflag:$0x1] =	stream.indirect.gather [hbm4b:s4+s15], $0x20, s18, s15, $0xb8;
	[tilespmem:$0x1FF00] =	vst v63  }
0x2b: {  	s0 =	sand.u32 @!p0 $0xFF, s0  }
0x2c: {  	s7 =	simm.s32 @!p0 $0x80;
	s1 =	sshrl.u32 s1, $0xA;
	s0 =	sshll.u32 @!p0 s0, $0xC  }
0x2d: {  	[tilespmem:s21], [sflag:$0x1] =	stream.indirect.gather [hbm4b:s4+s15], $0x20, s20, s15, $0xb8;
	[tilespmem:$0x1FF00] =	vst v63  }
0x2e: {  	s26 =	simm.s32 $0x200;
	s1 =	sand.u32 $0x3F, s1;
	s0 =	sadd.s32 @!p0 $0x2800, s0  }
0x2f: {  	[tilespmem:s0], [sflag:$0x1] =	stream.indirect.gather @!p0 [hbm4b:s4+s7], $0x20, s26, s7, $0xb8;
	[tilespmem:$0x1FF00] =	vst v63  }
0x30: {  	s30 =	simm.s32 $0x5;
	s25 =	simm.s32 $0x1;
	s7 =	smul.u32 $0x5, s1  }
0x31: {  	s11 =	smul.u32 $0xCD, s25;
	p0 =	por $0x0, $0x0;
	_ =	swait.ge [sflag:s22], $0x1000  }
0x32: {  	s0 =	ssub.s32 $0x0, s7;
	[sflag:s22] =	ssyncset.done $0x0;
	s7 =	smul.u32 @!p0 $0xCD, s30  }
0x33: {  	s31 =	simm.s32 $0x6;
	s0 =	sand.u32 $0xFF, s0;
	[sflag:s22] =	ssyncadd.s32 $0xFFFFF000  }
0x34: {  	s28 =	sshll.u32 s0, $0xC;
	s7 =	sshrl.u32 @!p0 s7, $0xA;
	s0 =	sshrl.u32 s11, $0xA  }
0x35: {  	s1 =	sadd.s32 $0x2800, s28;
	s7 =	sand.u32 @!p0 $0x3F, s7;
	s28 =	simm.s32 $0x1480  }
.LBB2_3:
0x36: {  	s7 =	smul.u32 @!p0 $0x5, s7  }
0x37: {  	s26 =	sadd.s32 $0x80, s26;
	s11 =	smov.u32 s31;
	s31 =	sadd.s32 $0x1, s31  }
0x38: {  	[spmem:s2] =	stream.indirect.scatter.add.f32 [tilespmem:s1], [sflag:$0x2], $0x20, s29, s15, $0xb8;
	[tilespmem:$0x1FF00] =	vst v63  }
0x39: {  	s0 =	sand.u32 $0x3F, s0;
	p1 =	sne.s32 s31, $0x2C  }
0x3a: {  	s0 =	smul.u32 $0x5, s0;
	s1 =	ssub.s32 @!p0 s30, s7;
	_ =	swait.ge [sflag:s14], $0x1000  }
0x3b: {  	s7 =	simm.s32 @!p0 $0x80;
	s1 =	sand.u32 @!p0 $0xFF, s1;
	[sflag:s14] =	ssyncset.done $0x0  }
0x3c: {  	s30 =	smov.u32 s11;
	s1 =	sshll.u32 @!p0 s1, $0xC;
	[sflag:s14] =	ssyncadd.s32 $0xFFFFF000  }
0x3d: {  	s0 =	ssub.s32 s25, s0;
	s25 =	sadd.s32 $0xFFFFFFFC, s30;
	s1 =	sadd.s32 @!p0 $0x2800, s1  }
0x3e: {  	[tilespmem:s1], [sflag:$0x1] =	stream.indirect.gather @!p0 [hbm4b:s4+s7], $0x20, s26, s7, $0xb8;
	[tilespmem:$0x1FF00] =	vst v63  }
0x3f: {  	s1 =	smul.u32 $0xCD, s25;
	_ =	swait.ge [sflag:s22], $0x1000  }
.Ltmp0:
0x40: {  	p0 =	sgt.u32 s25, $0x23;
	[sflag:s22] =	ssyncset.done $0x0;
	(pc) =	sbr.rel @p1 .LBB2_3-.Ltmp0, $4  }
0x41: {  	s0 =	sand.u32 $0xFF, s0;
	s7 =	smul.u32 @!p0 $0xCD, s30;
	[sflag:s22] =	ssyncadd.s32 $0xFFFFF000  }
0x42: {  	s29 =	smov.u32 s28;
	s11 =	sshll.u32 s0, $0xC  }
0x43: {  	s0 =	sshrl.u32 s1, $0xA;
	s1 =	sadd.s32 $0x2800, s11;
	s7 =	sshrl.u32 @!p0 s7, $0xA  }
0x44: {  	s28 =	sadd.s32 $0x80, s28;
	s7 =	sand.u32 @!p0 $0x3F, s7  }
0x45: {  	s7 =	smul.u32 @!p0 $0x5, s7  }
0x46: {  	[spmem:s2] =	stream.indirect.scatter.add.f32 [tilespmem:s1], [sflag:$0x2], $0x20, s29, s15, $0xb8;
	[tilespmem:$0x1FF00] =	vst v63  }
0x47: {  	s1 =	sadd.s32 $0x80, s26;
	s0 =	sand.u32 $0x3F, s0;
	s7 =	ssub.s32 @!p0 s30, s7  }
0x48: {  	_ =	swait.ge [sflag:s14], $0x1000;
	s0 =	smul.u32 $0x5, s0;
	s7 =	sand.u32 @!p0 $0xFF, s7  }
0x49: {  	s11 =	simm.s32 @!p0 $0x80;
	[sflag:s14] =	ssyncset.done $0x0;
	s7 =	sshll.u32 @!p0 s7, $0xC  }
0x4a: {  	[sflag:s14] =	ssyncadd.s32 $0xFFFFF000;
	s0 =	ssub.s32 s25, s0;
	s7 =	sadd.s32 @!p0 $0x2800, s7  }
0x4b: {  	[tilespmem:s7], [sflag:$0x1] =	stream.indirect.gather @!p0 [hbm4b:s4+s11], $0x20, s1, s11, $0xb8;
	[tilespmem:$0x1FF00] =	vst v63  }
0x4c: {  	s24 =	sadd.s32 $0x1, s24;
	s0 =	sand.u32 $0xFF, s0;
	_ =	swait.ge [sflag:s22], $0x1000  }
0x4d: {  	s0 =	sshll.u32 s0, $0xC;
	p0 =	sne.s32 s24, $0xA;
	[sflag:s22] =	ssyncset.done $0x0  }
.Ltmp1:
0x4e: {  	s0 =	sadd.s32 $0x2800, s0;
	[sflag:s22] =	ssyncadd.s32 $0xFFFFF000;
	(pc) =	sbr.rel @p0 .LBB2_2-.Ltmp1, $4  }
0x4f: {  	[spmem:s2] =	stream.indirect.scatter.add.f32 [tilespmem:s0], [sflag:$0x2], $0x20, s28, s15, $0xb8;
	[tilespmem:$0x1FF00] =	vst v63  }
0x50: {  	_ =	swait.ge [sflag:s14], $0x1000  }
0x51: {  	[sflag:s14] =	ssyncset.done $0x0  }
0x52: {  	[sflag:s14] =	ssyncadd.s32 $0xFFFFF000  }
0x53: {  	s23 =	sadd.s32 $0x1, s23  }
0x54: {  	[bflag:$0x0] =	sbarrier.arrive $0xFFFF;
	p0 =	sne.s32 s23, s12  }
.Ltmp2:
0x55: {  	s0 =	rddreg [dreg:$0x4];
	(pc) =	sbr.rel @p0 .LBB2_1-.Ltmp2, $4  }
0x56: {  	[hbm:s0], [sflag:s9] =	dma.local [spmem:s13], $0x30E0  }
0x57: {  	_ =	swait.ge [sflag:s14], $0x30E0  }
0x58: {  	[sflag:s14] =	ssyncset.done $0x0  }
0x59: {  	[sflag:s14] =	ssyncadd.s32 $0xFFFFCF20  }
0x5a: {  	_ =	sfence.sel $0x180000  }
0x5b: {  	[bflag:$0x0] =	sbarrier.arrive $0xFFFF  }
0x5c: {  	_ =	strace $0x9000004D  }
0x5d: {  	s0 =	stileid.u32;
	[bflag:$0x2] =	sbarrier.arrive $0xFFFF  }
0x5e: {  	p0 =	sne.s32 s0, $0x0;
	s0 =	rddreg [dreg:$0x2]  }
0x5f: {  	s0 =	sadd.s32 @!p0 $0x100000, s0  }
0x60: {  	[sflag:s0] =	ssyncadd.tile.s32 @!p0 $0x1;
	_ =	shalt  }
.Lfunc_end2:
_tile_overlayer_lowered:
.L_overlay_start_2:
0x61: {  	(tag) =	ssettag $0x2  }
0x62: {  	s0 =	rddreg [dreg:$0x0];
	s2 =	stileid.u32  }
0x63: {  	s1 =	rddreg [dreg:$0x1];
	p0 =	sne.s32 s2, $0x0  }
0x64: {  	s3 =	rddreg [dreg:$0x2];
	[bflag:$0x3] =	sbarrier.arrive $0xFFFF;
	s2 =	simm.s32 @!p0 $0x1C02  }
0x65: {  	[timem:s3], [sflag:s2] =	dma.local @!p0 [hbm:s0], s1  }
0x66: {  	s0 =	simm.s32 @!p0 $0x2  }
0x67: {  	_ =	swait.ge @!p0 [sflag:s0], s1  }
0x68: {  	s1 =	ssub.s32 @!p0 $0x0, s1;
	[sflag:s0] =	ssyncset.done @!p0 $0x0  }
0x69: {  	[sflag:s0] =	ssyncadd.s32 @!p0 s1  }
0x6a: {  	[bflag:$0x3] =	sbarrier.arrive $0xFFFF  }
0x6b: {  	_ =	shalt  }

// kernel: kernel.19.cloned.1.call-start
scs
__scs_entry_jumppad:
0x0: {  	(pc) =	sbr.rel $0x88, $3  }
0x1: {  	(tag) =	ssettag $0x0;
	lr =	simm.s32 $0x1  }
0x2: {  	[smem:$0x3F98] =	sst lr;
	_ =	strace $0xD0000000  }
0x3: {  	_ = 	snop  }
0x4: {  	_ = 	snop  }
0x5: {  	_ = 	snop  }
0x6: {  	_ = 	snop  }
0x7: {  	_ = 	snop  }
__scs_overlays_trampoline_lowered:
0x8: {  	[smem:$0x3FA7] =	sst s0  }
0x9: {  	[smem:$0x3FA8] =	sst s1  }
0xa: {  	[smem:$0x3FA9] =	sst s2  }
0xb: {  	[smem:$0x3FAA] =	sst s3  }
0xc: {  	[smem:$0x3FAB] =	sst s4  }
0xd: {  	[smem:$0x3FAC] =	sst s5  }
0xe: {  	[smem:$0x3FAD] =	sst s6  }
0xf: {  	[smem:$0x3FAE] =	sst s7  }
0x10: {  	[smem:$0x3FAF] =	sst s8  }
0x11: {  	[smem:$0x3FB0] =	sst s9;
	s0 =	simm.s32 @!p0 $0x0  }
0x12: {  	s1 =	sld [smem:$0x3F96];
	s0 =	simm.s32 @p0 $0x1  }
0x13: {  	[smem:$0x3FB1] =	sst s0;
	s0 =	simm.s32 @!p1 $0x0  }
0x14: {  	s2 =	sld [smem:$0x3F95];
	s0 =	simm.s32 @p1 $0x1  }
0x15: {  	[smem:$0x3FB2] =	sst s0;
	s0 =	simm.s32 @!p2 $0x0  }
0x16: {  	s3 =	sld [smem:$0x3FDB];
	s0 =	simm.s32 @p2 $0x1  }
0x17: {  	s4 =	simm.s32 $0x1BF5;
	[smem:$0x3FB4] =	sst s0  }
0x18: {  	s0 =	sld [smem:$0x3F97];
	_ =	swait.ge [sflag:s4], $0x0  }
0x19: {  	s7 =	sld [smem:$0x3F98]  }
0x1a: {  	s8 =	sadd.s32 $0xFFFFE003, lr  }
0x1b: {  	s9 =	sadd.s32 $0xFFFFFEF7, lr;
	s5 =	simm.s32 $0xFFFFFFFF;
	p2 =	slt.u32 s8, $0xFFFFF086  }
0x1c: {  	p1 =	slt.u32 s9, $0xF7A;
	s5 =	simm.s32 @!p2 $0x0  }
0x1d: {  	s5 =	simm.s32 @p1 $0x1;
	p0 =	seq.s32 s7, s2  }
0x1e: {  	s7 =	smul.u32 @!p0 $0xF7A, s2;
	p2 =	seq.s32 @!p0 s5, $0x0  }
0x1f: {  	s9 =	smul.u32 $0xF7A, s1;
	s8 =	simm.s32 @!p0 $0x1BF5;
	p2 =	por !p2, p0  }
0x20: {  	[sflag:s8] =	ssyncset.s32 @!p0 $0xFFFFF086;
	s6 =	sadd.s32 @!p0 s3, s7;
	s7 =	simm.s32 @!p0 $0x108  }
0x21: {  	s3 =	sadd.s32 s3, s9;
	s6 =	sadd.s32 @!p0 $0x88, s6;
	s7 =	simm.s32 @p2 $0x1082  }
0x22: {  	[simem:s7], [sflag:s8] =	dma.local @!p0 [hbm:s6], $0xF7A  }
0x23: {  	s9 =	sor.u32 $0xD0000000, s2;
	s6 =	simm.s32 $0x108;
	_ =	swait.ge @!p0 [sflag:s8], $0x0  }
0x24: {  	s3 =	sadd.s32 $0x88, s3;
	s6 =	simm.s32 @!p1 $0x1082;
	[sflag:s4] =	ssyncset.s32 $0xFFFFF086  }
0x25: {  	[simem:s6], [sflag:s4] =	dma.local [hbm:s3], $0xF7A  }
0x26: {  	[smem:$0x3F98] =	sst s1;
	(tag) =	ssettag s2;
	_ =	strace s9  }
0x27: {  	s1 =	sld [smem:$0x3FA8]  }
0x28: {  	s2 =	sld [smem:$0x3FA9]  }
0x29: {  	s4 =	sld [smem:$0x3FAB]  }
0x2a: {  	p0 =	seq.s32 s5, $0x0;
	s5 =	sld [smem:$0x3FAC]  }
0x2b: {  	s6 =	sld [smem:$0x3FAD]  }
0x2c: {  	s7 =	sld [smem:$0x3FAE]  }
0x2d: {  	s3 =	simm.s32 $0x108;
	s8 =	sld [smem:$0x3FAF]  }
0x2e: {  	s3 =	simm.s32 @!p0 $0x1082;
	s9 =	sld [smem:$0x3FB0]  }
0x2f: {  	lr =	sadd.s32 s0, s3;
	s0 =	sld [smem:$0x3FA7]  }
0x30: {  	s3 =	sld [smem:$0x3FAA]  }
0x31: {  	[smem:$0x3FB3] =	sst s10  }
0x32: {  	s10 =	sld [smem:$0x3FB1];
	_ =	sdelay $0x3  }
0x33: {  	p0 =	seq.s32 s10, $0x1;
	s10 =	sld [smem:$0x3FB3];
	_ =	sdelay $0x3  }
0x34: {  	[smem:$0x3FB3] =	sst s10  }
0x35: {  	s10 =	sld [smem:$0x3FB2];
	_ =	sdelay $0x3  }
0x36: {  	p1 =	seq.s32 s10, $0x1;
	s10 =	sld [smem:$0x3FB3];
	_ =	sdelay $0x3  }
0x37: {  	[smem:$0x3FB3] =	sst s10  }
0x38: {  	s10 =	sld [smem:$0x3FB4]  }
0x39: {  	_ = 	snop;
	(pc) =	sbr.ind lr, $3  }
0x3a: {  	_ = 	snop  }
0x3b: {  	_ = 	snop  }
0x3c: {  	p2 =	seq.s32 s10, $0x1;
	s10 =	sld [smem:$0x3FB3]  }
0x3d: {  	_ =	shalt  }
0x3e: {  	_ =	shalt  }
0x3f: {  	_ =	shalt  }
0x40: {  	_ =	shalt  }
0x41: {  	_ =	shalt  }
0x42: {  	_ =	shalt  }
0x43: {  	_ =	shalt  }
0x44: {  	_ =	shalt  }
0x45: {  	_ =	shalt  }
0x46: {  	_ =	shalt  }
0x47: {  	_ =	shalt  }
0x48: {  	_ =	shalt  }
0x49: {  	_ =	shalt  }
0x4a: {  	_ =	shalt  }
0x4b: {  	_ =	shalt  }
0x4c: {  	_ =	shalt  }
0x4d: {  	_ =	shalt  }
0x4e: {  	_ =	shalt  }
0x4f: {  	_ =	shalt  }
0x50: {  	_ =	shalt  }
0x51: {  	_ =	shalt  }
0x52: {  	_ =	shalt  }
0x53: {  	_ =	shalt  }
0x54: {  	_ =	shalt  }
0x55: {  	_ =	shalt  }
0x56: {  	_ =	shalt  }
0x57: {  	_ =	shalt  }
0x58: {  	_ =	shalt  }
0x59: {  	_ =	shalt  }
0x5a: {  	_ =	shalt  }
0x5b: {  	_ =	shalt  }
0x5c: {  	_ =	shalt  }
0x5d: {  	_ =	shalt  }
0x5e: {  	_ =	shalt  }
0x5f: {  	_ =	shalt  }
0x60: {  	_ =	shalt  }
0x61: {  	_ =	shalt  }
0x62: {  	_ =	shalt  }
0x63: {  	_ =	shalt  }
0x64: {  	_ =	shalt  }
0x65: {  	_ =	shalt  }
0x66: {  	_ =	shalt  }
0x67: {  	_ =	shalt  }
0x68: {  	_ =	shalt  }
0x69: {  	_ =	shalt  }
0x6a: {  	_ =	shalt  }
0x6b: {  	_ =	shalt  }
0x6c: {  	_ =	shalt  }
0x6d: {  	_ =	shalt  }
0x6e: {  	_ =	shalt  }
0x6f: {  	_ =	shalt  }
0x70: {  	_ =	shalt  }
0x71: {  	_ =	shalt  }
0x72: {  	_ =	shalt  }
0x73: {  	_ =	shalt  }
0x74: {  	_ =	shalt  }
0x75: {  	_ =	shalt  }
0x76: {  	_ =	shalt  }
0x77: {  	_ =	shalt  }
0x78: {  	_ =	shalt  }
0x79: {  	_ =	shalt  }
0x7a: {  	_ =	shalt  }
0x7b: {  	_ =	shalt  }
0x7c: {  	_ =	shalt  }
0x7d: {  	_ =	shalt  }
0x7e: {  	_ =	shalt  }
0x7f: {  	_ =	shalt  }
0x80: {  	_ =	shalt  }
0x81: {  	_ =	shalt  }
0x82: {  	_ =	shalt  }
0x83: {  	_ =	shalt  }
0x84: {  	_ =	shalt  }
0x85: {  	_ =	shalt  }
0x86: {  	_ =	shalt  }
0x87: {  	_ =	shalt  }
.Lfunc_end0:
.L_simem_size_0:
called_computation.3_lowered:
.L_overlay_start_0:
0x88: {  	s2 =	sld [smem:$0x3FD9]  }
0x89: {  	s3 =	sld [smem:$0x3FFE];
	_ =	sdelay $0x1  }
0x8a: {  	s1 =	srdreg.scid  }
0x8b: {  	s0 =	sand.u32 $0x1, s1  }
0x8c: {  	s16 =	sshll.u32 s0, $0xA;
	s2 =	sadd.s32 s3, s2  }
0x8d: {  	s2 =	sadd.s32 s2, s16  }
0x8e: {  	[smem:$0x3FBF] =	sst s2  }
0x8f: {  	_ = 	snop  }
0x90: {  	(tm) =	ssettm $0x1  }
0x91: {  	s17 =	sld [smem:$0x3FFB];
	_ =	sdelay $0x3  }
0x92: {  	_ =	strace s17  }
0x93: {  	s2 =	sld [smem:$0x3FFC];
	_ =	sdelay $0x3  }
0x94: {  	_ =	strace s2  }
0x95: {  	s2 =	sld [smem:$0x3FFD];
	_ =	sdelay $0x3  }
0x96: {  	_ =	strace s2  }
0x97: {  	_ =	strace $0x8FFFFFFF  }
0x98: {  	s18 =	sld [smem:$0x3FDB];
	_ =	sdelay $0x1  }
0x99: {  	s19 =	simm.s32 $_scs_section_size  }
0x9a: {  	s4 =	simm.s32 $_size__tile_overlayer_lowered;
	s5 =	simm.s32 $_tile_overlayer_lowered  }
0x9b: {  	s22 =	simm.s32 $0x1BFF;
	s21 =	sshll.u32 s5, $0x1;
	s2 =	sadd.s32 s19, s18  }
0x9c: {  	s6 =	simm.s32 $0x0;
	s20 =	sshll.u32 s4, $0x1;
	s4 =	sadd.s32 s21, s2  }
0x9d: {  	[timem:s6], [sflag:s22] =	dma.local [hbm:s4], s20  }
0x9e: {  	_ =	swait.ge [sflag:s22], s20  }
0x9f: {  	s3 =	ssub.s32 $0x0, s20;
	[sflag:s22] =	ssyncset.done $0x0  }
0xa0: {  	[sflag:s22] =	ssyncadd.s32 s3;
	_ =	sdelay $0x1  }
0xa1: {  	s23 =	simm.s32 $0x1B8B  }
0xa2: {  	_ =	swait.ge [sflag:s23], $0x1  }
0xa3: {  	[sflag:s23] =	ssyncset.done $0x0  }
0xa4: {  	s25 =	simm.s32 $0x1B8E;
	s24 =	sld [smem:$0x3FFE];
	[sflag:s23] =	ssyncadd.s32 $0xFFFFFFFF  }
0xa5: {  	s26 =	simm.s32 $execute0_lowered;
	[smem:$0x3FD2] =	sst s25  }
0xa6: {  	s4 =	sshll.u32 s26, $0x1;
	_ =	strace $0x8000004F;
	[dreg:$0x1] =	wrdreg $0xFFFFFFFF  }
0xa7: {  	s28 =	simm.s32 $_size_execute0_lowered;
	s2 =	sadd.s32 s2, s4;
	[dreg:$0x0] =	wrdreg $0x0  }
0xa8: {  	s4 =	sshll.u32 s28, $0x1;
	[dreg:$0x2] =	wrdreg s2  }
0xa9: {  	[dreg:$0x3] =	wrdreg s4  }
0xaa: {  	[dreg:$0x4] =	wrdreg $0xC0  }
0xab: {  	_ =	task [dreg:s6], $0x5FFFF  }
0xac: {  	[dreg:$0x1] =	wrdreg $0xFFFFFFFF  }
0xad: {  	[dreg:$0x0] =	wrdreg $0x60  }
0xae: {  	[dreg:$0x2] =	wrdreg s24  }
0xaf: {  	[dreg:$0x3] =	wrdreg $0x78000  }
0xb0: {  	[dreg:$0x4] =	wrdreg $0x9  }
0xb1: {  	_ =	task.clear_ibuf [dreg:s6], $0x5FFFF;
	_ =	strace $0x9000004F  }
0xb2: {  	s29 =	simm.s32 $0x9;
	_ =	strace $0x80000051  }
0xb3: {  	_ =	swait.ge [sflag:s29], $0x1  }
0xb4: {  	[sflag:s29] =	ssyncadd.s32 $0xFFFFFFFF  }
0xb5: {  	_ =	strace $0x90000051  }
0xb6: {  	_ =	sfence  }
0xb7: {  	s30 =	sld [smem:$0x0];
	_ =	sdelay $0x2  }
0xb8: {  	s31 =	sshll.u32 s1, $0xD;
	s1 =	sshrl.u32 s1, $0x2  }
0xb9: {  	s3 =	sand.u32 $0x4000, s31;
	s1 =	sadd.s32 s1, s30  }
0xba: {  	s0 =	sor.u32 s3, s0;
	s1 =	sshll.u32 s1, $0x11  }
0xbb: {  	s0 =	sor.u32 s1, s0  }
0xbc: {  	s0 =	sadd.s32 $0x8F2B, s0  }
0xbd: {  	[sflag:s0] =	ssyncadd.remote.s32 $0x1  }
0xbe: {  	_ =	sfence.sel $0xFFFF  }
0xbf: {  	[dreg:$0x0] =	wrdreg $0xFFFFFFFF;
	(pc) =	sbr.abs _section_cstart, $3  }
0xc0: {  	[dreg:$0x1] =	wrdreg $0xFFFFFFFF  }
0xc1: {  	_ =	task.clear_ibuf [dreg:s6], $0x2FFFF;
	_ =	strace $0x9FFFFFFF  }
0xc2: {  	(tm) =	ssettm $0x7FFFFFFF  }
0xc3: {  	_ =	shalt  }
tec
execute0_lowered:
.L_overlay_start_1:
0x0: {  	(tag) =	ssettag $0x1  }
0x1: {  	s0 =	rddreg [dreg:$0x0]  }
0x2: {  	s2 =	rddreg [dreg:$0x1];
	s3 =	simm.s32 $0x0  }
0x3: {  	s13 =	stileid.u32;
	s1 =	srdreg.scid;
	s14 =	simm.s32 $0x2  }
0x4: {  	s15 =	simm.s32 $0x80;
	s16 =	simm.s32 $0x2800;
	s17 =	simm.s32 $0x3800  }
0x5: {  	s18 =	simm.s32 $0x100;
	s19 =	simm.s32 $0x4800;
	s20 =	simm.s32 $0x180  }
0x6: {  	s21 =	simm.s32 $0x5800;
	s22 =	simm.s32 $0x1;
	s23 =	simm.s32 $0x0  }
0x7: {  	[smem:$0x7FF] =	sst s3;
	s7 =	smul.u32 $0x18700, s13;
	s1 =	sand.u32 $0x1, s1  }
0x8: {  	s4 =	sadd.s32 $0x1B800, s0;
	s5 =	sadd.s32 $0x128600, s0;
	s6 =	sadd.s32 $0x2800, s0  }
0x9: {  	s31 =	sshll.u32 s13, $0x6;
	s8 =	smul.u32 $0x187000, s1;
	s10 =	ssub.s32 $0x2, s1  }
0xa: {  	_ =	strace $0x80000050;
	s9 =	sshrl.u32 s7, $0x3;
	s11 =	sshrl.u32 s10, $0x1  }
0xb: {  	s8 =	sadd.s32 s7, s8;
	s9 =	sadd.s32 s9, s0;
	s12 =	ssub.s32 s10, s11  }
0xc: {  	s7 =	sadd.s32 s7, s2;
	s10 =	smul.u32 $0xC8000, s1;
	s8 =	sshrl.u32 s8, $0x3  }
0xd: {  	s30 =	sadd.s32 $0x7D400, s9;
	s9 =	sor.u32 $0x1C02, s31;
	s0 =	sadd.s32 s8, s0  }
0xe: {  	s12 =	smax.u32 s12, $0x1;
	[dreg:$0x3] =	wrdreg s30;
	s0 =	sadd.s32 $0xAE200, s0  }
0xf: {  	s8 =	smul.u32 $0x190, s13;
	s13 =	sshrl.u32 s7, $0x3;
	[dreg:$0x4] =	wrdreg s0  }
.LBB2_1:
0x10: {  	s0 =	rddreg [dreg:$0x3]  }
0x11: {  	[spmem:s13], [sflag:s9] =	dma.local [hbm:s0], $0x30E0  }
0x12: {  	_ =	swait.ge [sflag:s14], $0x30E0  }
0x13: {  	[sflag:s14] =	ssyncset.done $0x0  }
0x14: {  	[sflag:s14] =	ssyncadd.s32 $0xFFFFCF20  }
0x15: {  	s24 =	simm.s32 $0x0;
	[bflag:$0x0] =	sbarrier.arrive $0xFFFF  }
.LBB2_2:
0x16: {  	s0 =	smul.u32 $0x28, s24;
	_ =	sdelay $0x1  }
0x17: {  	s0 =	sadd.s32 s8, s0  }
0x18: {  	s1 =	sshll.u32 s0, $0x7  }
0x19: {  	s1 =	sadd.s32 s10, s1  }
0x1a: {  	s1 =	sshrl.u32 s1, $0x3  }
0x1b: {  	s1 =	sadd.s32 s5, s1  }
0x1c: {  	[tilespmem:s3], [sflag:$0x2] =	stream.linear.gather [hbm4b:s1+s3], $0x1400, $0x38;
	[tilespmem:$0x1FF00] =	vst v63  }
0x1d: {  	_ =	swait.ge [sflag:s14], $0x1400  }
0x1e: {  	s0 =	sshll.u32 s0, $0x4;
	[sflag:s14] =	ssyncset.done $0x0  }
0x1f: {  	s29 =	simm.s32 $0x1400;
	s0 =	sadd.s32 s6, s0;
	[sflag:s14] =	ssyncadd.s32 $0xFFFFEC00  }
0x20: {  	[tilespmem:s29], [sflag:$0x2] =	stream.linear.gather [hbm4b:s0+s3], $0x1400, $0x38;
	[tilespmem:$0x1FF00] =	vst v63  }
0x21: {  	p0 =	por $0x0, $0x0;
	s0 =	simm.s32 $0x4  }
0x22: {  	_ =	swait.ge [sflag:s14], $0x1400;
	s0 =	smul.u32 @!p0 $0xCD, s0  }
0x23: {  	[sflag:s14] =	ssyncset.done $0x0  }
0x24: {  	[sflag:s14] =	ssyncadd.s32 $0xFFFFEC00;
	s0 =	sshrl.u32 @!p0 s0, $0xA  }
0x25: {  	[tilespmem:s16], [sflag:$0x1] =	stream.indirect.gather [hbm4b:s4+s15], $0x20, s3, s15, $0xb8;
	[tilespmem:$0x1FF00] =	vst v63  }
0x26: {  	s0 =	sand.u32 @!p0 $0x3F, s0  }
0x27: {  	s26 =	simm.s32 $0x0;
	s0 =	smul.u32 @!p0 $0x5, s0  }
0x28: {  	[tilespmem:s17], [sflag:$0x1] =	stream.indirect.gather [hbm4b:s4+s15], $0x20, s15, s15, $0xb8;
	[tilespmem:$0x1FF00] =	vst v63  }
0x29: {  	s1 =	smul.u32 $0xCD, s26;
	s0 =	ssub.s32 @!p0 $0x4, s0  }
0x2a: {  	[tilespmem:s19], [sflag:$0x1] =	stream.indirect.gather [hbm4b:s4+s15], $0x20, s18, s15, $0xb8;
	[tilespmem:$0x1FF00] =	vst v63  }
0x2b: {  	s0 =	sand.u32 @!p0 $0xFF, s0  }
0x2c: {  	s7 =	simm.s32 @!p0 $0x80;
	s1 =	sshrl.u32 s1, $0xA;
	s0 =	sshll.u32 @!p0 s0, $0xC  }
0x2d: {  	[tilespmem:s21], [sflag:$0x1] =	stream.indirect.gather [hbm4b:s4+s15], $0x20, s20, s15, $0xb8;
	[tilespmem:$0x1FF00] =	vst v63  }
0x2e: {  	s26 =	simm.s32 $0x200;
	s1 =	sand.u32 $0x3F, s1;
	s0 =	sadd.s32 @!p0 $0x2800, s0  }
0x2f: {  	[tilespmem:s0], [sflag:$0x1] =	stream.indirect.gather @!p0 [hbm4b:s4+s7], $0x20, s26, s7, $0xb8;
	[tilespmem:$0x1FF00] =	vst v63  }
0x30: {  	s30 =	simm.s32 $0x5;
	s25 =	simm.s32 $0x1;
	s7 =	smul.u32 $0x5, s1  }
0x31: {  	s11 =	smul.u32 $0xCD, s25;
	p0 =	por $0x0, $0x0;
	_ =	swait.ge [sflag:s22], $0x1000  }
0x32: {  	s0 =	ssub.s32 $0x0, s7;
	[sflag:s22] =	ssyncset.done $0x0;
	s7 =	smul.u32 @!p0 $0xCD, s30  }
0x33: {  	s31 =	simm.s32 $0x6;
	s0 =	sand.u32 $0xFF, s0;
	[sflag:s22] =	ssyncadd.s32 $0xFFFFF000  }
0x34: {  	s28 =	sshll.u32 s0, $0xC;
	s7 =	sshrl.u32 @!p0 s7, $0xA;
	s0 =	sshrl.u32 s11, $0xA  }
0x35: {  	s1 =	sadd.s32 $0x2800, s28;
	s7 =	sand.u32 @!p0 $0x3F, s7;
	s28 =	simm.s32 $0x1480  }
.LBB2_3:
0x36: {  	s7 =	smul.u32 @!p0 $0x5, s7  }
0x37: {  	s26 =	sadd.s32 $0x80, s26;
	s11 =	smov.u32 s31;
	s31 =	sadd.s32 $0x1, s31  }
0x38: {  	[spmem:s2] =	stream.indirect.scatter.add.f32 [tilespmem:s1], [sflag:$0x2], $0x20, s29, s15, $0xb8;
	[tilespmem:$0x1FF00] =	vst v63  }
0x39: {  	s0 =	sand.u32 $0x3F, s0;
	p1 =	sne.s32 s31, $0x2C  }
0x3a: {  	s0 =	smul.u32 $0x5, s0;
	s1 =	ssub.s32 @!p0 s30, s7;
	_ =	swait.ge [sflag:s14], $0x1000  }
0x3b: {  	s7 =	simm.s32 @!p0 $0x80;
	s1 =	sand.u32 @!p0 $0xFF, s1;
	[sflag:s14] =	ssyncset.done $0x0  }
0x3c: {  	s30 =	smov.u32 s11;
	s1 =	sshll.u32 @!p0 s1, $0xC;
	[sflag:s14] =	ssyncadd.s32 $0xFFFFF000  }
0x3d: {  	s0 =	ssub.s32 s25, s0;
	s25 =	sadd.s32 $0xFFFFFFFC, s30;
	s1 =	sadd.s32 @!p0 $0x2800, s1  }
0x3e: {  	[tilespmem:s1], [sflag:$0x1] =	stream.indirect.gather @!p0 [hbm4b:s4+s7], $0x20, s26, s7, $0xb8;
	[tilespmem:$0x1FF00] =	vst v63  }
0x3f: {  	s1 =	smul.u32 $0xCD, s25;
	_ =	swait.ge [sflag:s22], $0x1000  }
.Ltmp0:
0x40: {  	p0 =	sgt.u32 s25, $0x23;
	[sflag:s22] =	ssyncset.done $0x0;
	(pc) =	sbr.rel @p1 .LBB2_3-.Ltmp0, $4  }
0x41: {  	s0 =	sand.u32 $0xFF, s0;
	s7 =	smul.u32 @!p0 $0xCD, s30;
	[sflag:s22] =	ssyncadd.s32 $0xFFFFF000  }
0x42: {  	s29 =	smov.u32 s28;
	s11 =	sshll.u32 s0, $0xC  }
0x43: {  	s0 =	sshrl.u32 s1, $0xA;
	s1 =	sadd.s32 $0x2800, s11;
	s7 =	sshrl.u32 @!p0 s7, $0xA  }
0x44: {  	s28 =	sadd.s32 $0x80, s28;
	s7 =	sand.u32 @!p0 $0x3F, s7  }
0x45: {  	s7 =	smul.u32 @!p0 $0x5, s7  }
0x46: {  	[spmem:s2] =	stream.indirect.scatter.add.f32 [tilespmem:s1], [sflag:$0x2], $0x20, s29, s15, $0xb8;
	[tilespmem:$0x1FF00] =	vst v63  }
0x47: {  	s1 =	sadd.s32 $0x80, s26;
	s0 =	sand.u32 $0x3F, s0;
	s7 =	ssub.s32 @!p0 s30, s7  }
0x48: {  	_ =	swait.ge [sflag:s14], $0x1000;
	s0 =	smul.u32 $0x5, s0;
	s7 =	sand.u32 @!p0 $0xFF, s7  }
0x49: {  	s11 =	simm.s32 @!p0 $0x80;
	[sflag:s14] =	ssyncset.done $0x0;
	s7 =	sshll.u32 @!p0 s7, $0xC  }
0x4a: {  	[sflag:s14] =	ssyncadd.s32 $0xFFFFF000;
	s0 =	ssub.s32 s25, s0;
	s7 =	sadd.s32 @!p0 $0x2800, s7  }
0x4b: {  	[tilespmem:s7], [sflag:$0x1] =	stream.indirect.gather @!p0 [hbm4b:s4+s11], $0x20, s1, s11, $0xb8;
	[tilespmem:$0x1FF00] =	vst v63  }
0x4c: {  	s24 =	sadd.s32 $0x1, s24;
	s0 =	sand.u32 $0xFF, s0;
	_ =	swait.ge [sflag:s22], $0x1000  }
0x4d: {  	s0 =	sshll.u32 s0, $0xC;
	p0 =	sne.s32 s24, $0xA;
	[sflag:s22] =	ssyncset.done $0x0  }
.Ltmp1:
0x4e: {  	s0 =	sadd.s32 $0x2800, s0;
	[sflag:s22] =	ssyncadd.s32 $0xFFFFF000;
	(pc) =	sbr.rel @p0 .LBB2_2-.Ltmp1, $4  }
0x4f: {  	[spmem:s2] =	stream.indirect.scatter.add.f32 [tilespmem:s0], [sflag:$0x2], $0x20, s28, s15, $0xb8;
	[tilespmem:$0x1FF00] =	vst v63  }
0x50: {  	_ =	swait.ge [sflag:s14], $0x1000  }
0x51: {  	[sflag:s14] =	ssyncset.done $0x0  }
0x52: {  	[sflag:s14] =	ssyncadd.s32 $0xFFFFF000  }
0x53: {  	s23 =	sadd.s32 $0x1, s23  }
0x54: {  	[bflag:$0x0] =	sbarrier.arrive $0xFFFF;
	p0 =	sne.s32 s23, s12  }
.Ltmp2:
0x55: {  	s0 =	rddreg [dreg:$0x4];
	(pc) =	sbr.rel @p0 .LBB2_1-.Ltmp2, $4  }
0x56: {  	[hbm:s0], [sflag:s9] =	dma.local [spmem:s13], $0x30E0  }
0x57: {  	_ =	swait.ge [sflag:s14], $0x30E0  }
0x58: {  	[sflag:s14] =	ssyncset.done $0x0  }
0x59: {  	[sflag:s14] =	ssyncadd.s32 $0xFFFFCF20  }
0x5a: {  	_ =	sfence.sel $0x180000  }
0x5b: {  	[bflag:$0x0] =	sbarrier.arrive $0xFFFF  }
0x5c: {  	_ =	strace $0x90000050  }
0x5d: {  	s0 =	stileid.u32;
	[bflag:$0x2] =	sbarrier.arrive $0xFFFF  }
0x5e: {  	p0 =	sne.s32 s0, $0x0;
	s0 =	rddreg [dreg:$0x2]  }
0x5f: {  	s0 =	sadd.s32 @!p0 $0x100000, s0  }
0x60: {  	[sflag:s0] =	ssyncadd.tile.s32 @!p0 $0x1;
	_ =	shalt  }
.Lfunc_end2:
_tile_overlayer_lowered:
.L_overlay_start_2:
0x61: {  	(tag) =	ssettag $0x2  }
0x62: {  	s0 =	rddreg [dreg:$0x0];
	s2 =	stileid.u32  }
0x63: {  	s1 =	rddreg [dreg:$0x1];
	p0 =	sne.s32 s2, $0x0  }
0x64: {  	s3 =	rddreg [dreg:$0x2];
	[bflag:$0x3] =	sbarrier.arrive $0xFFFF;
	s2 =	simm.s32 @!p0 $0x1C02  }
0x65: {  	[timem:s3], [sflag:s2] =	dma.local @!p0 [hbm:s0], s1  }
0x66: {  	s0 =	simm.s32 @!p0 $0x2  }
0x67: {  	_ =	swait.ge @!p0 [sflag:s0], s1  }
0x68: {  	s1 =	ssub.s32 @!p0 $0x0, s1;
	[sflag:s0] =	ssyncset.done @!p0 $0x0  }
0x69: {  	[sflag:s0] =	ssyncadd.s32 @!p0 s1  }
0x6a: {  	[bflag:$0x3] =	sbarrier.arrive $0xFFFF  }
0x6b: {  	_ =	shalt  }

</sc_bundles>
